<compile_context>
chip_gen: v7x
topology: tpu7x:2x2x1
jax: 0.10.2.dev20260603
libtpu: 0.0.44.dev20260713+nightly
codegen_flags: <defaults>
</compile_context>

<pallas_src>
import functools

import jax
import jax.numpy as jnp
import numpy as np
from jax import lax
from jax.experimental import pallas as pl
from jax.experimental.pallas import tpu as pltpu
from jax.experimental.pallas import tpu_sc as plsc

_F32 = jnp.float32


def _tap_wT(w_iohw):
    i, o, kh, kw = w_iohw.shape
    return jnp.transpose(w_iohw, (2, 3, 0, 1)).reshape(kh * kw, i, o)


def _gfold_w(w_cd, g):
    ci, co = w_cd.shape[2], w_cd.shape[3]
    blocks = []
    for dy in range(3):
        for s in range(3):
            b = jnp.zeros((g * ci, g * co), _F32)
            for dx in range(3):
                k = dx - 1 + (1 - s) * g
                if -g < k < g:
                    b = b + jnp.kron(jnp.eye(g, k=-k, dtype=_F32),
                                     w_cd[dy, dx])
            blocks.append(b)
    return jnp.stack(blocks)


def _gfold_s2_w(w_cd, g):
    g = int(g)
    e1 = np.zeros((2 * g, g), np.float32)
    e2 = np.zeros((2 * g, g), np.float32)
    e0 = np.zeros((2 * g, g), np.float32)
    el = np.zeros((2 * g, g), np.float32)
    for q in range(g):
        e1[2 * q, q] = 1
        e2[2 * q + 1, q] = 1
        if q + 1 < g:
            e0[2 * q + 1, q + 1] = 1
    el[2 * g - 1, 0] = 1
    mats = []
    for dy in range(3):
        mats.append(jnp.kron(jnp.asarray(el), w_cd[dy, 0]))
        mats.append(jnp.kron(jnp.asarray(e1), w_cd[dy, 1])
                    + jnp.kron(jnp.asarray(e2), w_cd[dy, 2])
                    + jnp.kron(jnp.asarray(e0), w_cd[dy, 0]))
    return jnp.stack(mats)


_CT_TAPS = {
    (0, 0): ((0, 0, 4),),
    (0, 1): ((0, 0, 5), (0, 1, 3)),
    (1, 0): ((0, 0, 7), (1, 0, 1)),
    (1, 1): ((0, 0, 8), (0, 1, 6), (1, 0, 2), (1, 1, 0)),
}
_CT_SPECS = ((0, 0, 0), (0, 0, 1), (1, 0, 0), (1, 0, 1), (1, 1, 0), (1, 1, 1))


def _gfoldt_w(w9, gi):
    gi = int(gi)

    def sel(sj, b):
        s = np.zeros((gi, 2 * gi), np.float32)
        for q in range(gi):
            if sj == 0:
                s[q, 2 * q + b] = 1
            elif q + 1 < gi:
                s[q + 1, 2 * q + b] = 1
        return s

    def selc(b):
        s = np.zeros((gi, 2 * gi), np.float32)
        s[0, 2 * (gi - 1) + b] = 1
        return s

    mats = []
    for a in (0, 1):
        for si in ((0,) if a == 0 else (0, 1)):
            c = jnp.zeros((gi * w9.shape[1], 2 * gi * w9.shape[2]), _F32)
            r = jnp.zeros((gi * w9.shape[1], 2 * gi * w9.shape[2]), _F32)
            for b in (0, 1):
                for (si2, sj, t) in _CT_TAPS[(a, b)]:
                    if si2 != si:
                        continue
                    if sj == 0:
                        c = c + jnp.kron(jnp.asarray(sel(0, b)), w9[t])
                    else:
                        c = c + jnp.kron(jnp.asarray(sel(1, b)), w9[t])
                        r = r + jnp.kron(jnp.asarray(selc(b)), w9[t])
            mats += [c, r]
    return jnp.stack(mats)


def _zero_borders(o_ref, uo):
    o_ref[0, 0] = jnp.zeros_like(o_ref[0, 0])
    for u in range(uo + 1, o_ref.shape[1]):
        o_ref[0, u] = jnp.zeros_like(o_ref[0, u])
    o_ref[0, :, :, 0, :] = jnp.zeros_like(o_ref[0, :, :, 0, :])
    o_ref[0, :, :, 29, :] = jnp.zeros_like(o_ref[0, :, :, 29, :])


def _conv1(xg, w9, b2):
    n = xg.shape[0]

    def body(x_ref, w_ref, b_ref, o_ref):
        acc = jnp.zeros((224 * 28, 128), _F32)
        for dy in range(3):
            for s in range(3):
                a = x_ref[0, dy:dy + 224, s:s + 28, :].reshape(224 * 28, 24)
                acc = acc + jnp.dot(a, w_ref[dy * 3 + s],
                                    preferred_element_type=_F32)
        v = jnp.maximum(acc + b_ref[0:1, :], 0.0)
        o_ref[0, 1:113, :, 1:29, :] = v.reshape(112, 2, 28, 128)
        _zero_borders(o_ref, 112)

    return pl.pallas_call(
        body,
        grid=(n,),
        in_specs=[pl.BlockSpec((1, 226, 30, 24), lambda i: (i, 0, 0, 0)),
                  pl.BlockSpec((9, 24, 128), lambda i: (0, 0, 0)),
                  pl.BlockSpec((1, 128), lambda i: (0, 0))],
        out_specs=pl.BlockSpec((1, 114, 2, 30, 128),
                               lambda i: (i, 0, 0, 0, 0)),
        out_shape=jax.ShapeDtypeStruct((n, 114, 2, 30, 128), _F32),
    )(xg, w9, b2)


def _conv_s2(x6, w6, b2, fold_out):
    n, u = x6.shape[0], x6.shape[1]
    ho, gco = u - 2, w6.shape[2]

    def body(x_ref, w_ref, b_ref, o_ref):
        acc = jnp.zeros((ho * 28, gco), _F32)
        for dy in range(3):
            di, pu = divmod(dy + 1, 2)
            for s in range(2):
                a = x_ref[0, di:di + ho, pu, s:s + 28, :].reshape(ho * 28, 128)
                acc = acc + jnp.dot(a, w_ref[dy * 2 + s],
                                    preferred_element_type=_F32)
        v = jnp.maximum(acc + b_ref[0:1, :], 0.0)
        if fold_out:
            o_ref[0, 1:1 + ho // 2, :, 1:29, :] = v.reshape(
                ho // 2, 2, 28, gco)
            _zero_borders(o_ref, ho // 2)
        else:
            o_ref[0] = v.reshape(ho, 28, gco)

    if fold_out:
        oshape = (n, ho // 2 + 2, 2, 30, gco)
        ospec = pl.BlockSpec((1,) + oshape[1:], lambda i: (i, 0, 0, 0, 0))
    else:
        oshape = (n, ho, 28, gco)
        ospec = pl.BlockSpec((1,) + oshape[1:], lambda i: (i, 0, 0, 0))
    return pl.pallas_call(
        body,
        grid=(n,),
        in_specs=[pl.BlockSpec((1, u, 2, 30, 128),
                               lambda i: (i, 0, 0, 0, 0)),
                  pl.BlockSpec((6, 128, gco), lambda i: (0, 0, 0)),
                  pl.BlockSpec((1, gco), lambda i: (0, 0))],
        out_specs=ospec,
        out_shape=jax.ShapeDtypeStruct(oshape, _F32),
    )(x6, w6, b2)


def _vq_idx(z, embed):
    n = z.shape[0]
    k, d = embed.shape

    def body(z_ref, e_ref, i_ref):
        zz = z_ref[0].reshape(784, d)
        e = e_ref[...]
        zd = jax.lax.dot_general(zz, e, (((1,), (1,)), ((), ())),
                                 preferred_element_type=_F32)
        e2 = jax.lax.dot_general(jnp.ones((1, d), _F32), e * e,
                                 (((1,), (1,)), ((), ())),
                                 preferred_element_type=_F32)
        z2 = jnp.sum(zz * zz, axis=1, keepdims=True)
        dist = z2 - 2.0 * zd + e2
        mn = jnp.min(dist, axis=1, keepdims=True)
        li = jax.lax.broadcasted_iota(jnp.int32, (784, k), 1)
        idx = jnp.min(jnp.where(dist == mn, li, k), axis=1, keepdims=True)
        i_ref[0, 0:784, :] = idx
        i_ref[0, 784:800, :] = jnp.zeros((16, 1), jnp.int32)

    return pl.pallas_call(
        body,
        grid=(n,),
        in_specs=[pl.BlockSpec((1, 28, 28, d), lambda i: (i, 0, 0, 0)),
                  pl.BlockSpec((k, d), lambda i: (0, 0))],
        out_specs=pl.BlockSpec((1, 800, 1), lambda i: (i, 0, 0)),
        out_shape=jax.ShapeDtypeStruct((n, 800, 1), jnp.int32),
    )(z, embed)


def _sc_gather(embed, idx_flat):
    b = idx_flat.shape[0]
    d = embed.shape[1]
    info = plsc.get_sparse_core_info()
    nc, ns = info.num_cores, info.num_subcores
    bpw = b // (nc * ns)
    mesh = plsc.VectorSubcoreMesh(core_axis_name="c", subcore_axis_name="s")

    @functools.partial(
        pl.kernel, mesh=mesh,
        out_type=jax.ShapeDtypeStruct((b, d), jnp.float32),
        scratch_types=[
            pltpu.VMEM((bpw,), jnp.int32),
            pltpu.VMEM((bpw, d), jnp.float32),
            pltpu.SemaphoreType.DMA,
        ],
    )
    def k(table_hbm, idx_hbm, out_hbm, idx_v, rows_v, sem):
        wid = lax.axis_index("s") * nc + lax.axis_index("c")
        base = wid * bpw
        pltpu.sync_copy(idx_hbm.at[pl.ds(base, bpw)], idx_v)
        pltpu.async_copy(table_hbm.at[idx_v], rows_v, sem).wait()
        pltpu.sync_copy(rows_v, out_hbm.at[pl.ds(base, bpw)])

    return k(embed, idx_flat)


def _convt1_sse(xg, w6, b2, z):
    n, hp1, wg1, gci = xg.shape
    hi, wg = hp1 - 1, wg1 - 1
    g2co = w6.shape[2]

    def body(x_ref, w_ref, b_ref, z_ref, o_ref, sse_ref):
        i = pl.program_id(0)
        for a in (0, 1):
            acc = jnp.zeros((hi * wg, g2co), _F32)
            for idx, (aa, si, gofs) in enumerate(_CT_SPECS):
                if aa != a:
                    continue
                v = x_ref[0, si:si + hi, gofs:gofs + wg, :].reshape(
                    hi * wg, gci)
                acc = acc + jnp.dot(v, w_ref[idx],
                                    preferred_element_type=_F32)
            r = jnp.maximum(acc + b_ref[0:1, :], 0.0)
            o_ref[0, :, a, :, :] = r.reshape(hi, wg, g2co)
        dlt = x_ref[0, 0:28, 0:28, :] - z_ref[0]

        @pl.when(i == 0)
        def _():
            sse_ref[0, 0] = 0.0

        sse_ref[0, 0] += jnp.sum(dlt * dlt)

    return pl.pallas_call(
        body,
        grid=(n,),
        in_specs=[pl.BlockSpec((1, hp1, wg1, gci), lambda i: (i, 0, 0, 0)),
                  pl.BlockSpec((6, gci, g2co), lambda i: (0, 0, 0)),
                  pl.BlockSpec((1, g2co), lambda i: (0, 0)),
                  pl.BlockSpec((1, 28, 28, gci), lambda i: (i, 0, 0, 0))],
        out_specs=[pl.BlockSpec((1, hi, 2, wg, g2co),
                                lambda i: (i, 0, 0, 0, 0)),
                   pl.BlockSpec((1, 1), lambda i: (0, 0),
                                memory_space=pltpu.SMEM)],
        out_shape=[jax.ShapeDtypeStruct((n, hi, 2, wg, g2co), _F32),
                   jax.ShapeDtypeStruct((1, 1), _F32)],
    )(xg, w6, b2, z)


def _convt_s2(xg, w6, b2):
    n, hp1, wg1, gci = xg.shape
    hi, wg = hp1 - 1, wg1 - 1
    g2co = w6.shape[2]

    def body(x_ref, w_ref, b_ref, o_ref):
        for a in (0, 1):
            acc = jnp.zeros((hi * wg, g2co), _F32)
            for idx, (aa, si, gofs) in enumerate(_CT_SPECS):
                if aa != a:
                    continue
                v = x_ref[0, si:si + hi, gofs:gofs + wg, :].reshape(
                    hi * wg, gci)
                acc = acc + jnp.dot(v, w_ref[idx],
                                    preferred_element_type=_F32)
            r = jnp.maximum(acc + b_ref[0:1, :], 0.0)
            o_ref[0, :, a, :, :] = r.reshape(hi, wg, g2co)

    return pl.pallas_call(
        body,
        grid=(n,),
        in_specs=[pl.BlockSpec((1, hp1, wg1, gci), lambda i: (i, 0, 0, 0)),
                  pl.BlockSpec((6, gci, g2co), lambda i: (0, 0, 0)),
                  pl.BlockSpec((1, g2co), lambda i: (0, 0))],
        out_specs=pl.BlockSpec((1, hi, 2, wg, g2co),
                               lambda i: (i, 0, 0, 0, 0)),
        out_shape=jax.ShapeDtypeStruct((n, hi, 2, wg, g2co), _F32),
    )(xg, w6, b2)


def _convt3(xg, w6, b2):
    n = xg.shape[0]
    hi, wg = 112, 28

    def body(x_ref, w_ref, b_ref, o_ref):
        for a in (0, 1):
            acc = jnp.zeros((hi * wg, 128), _F32)
            for idx, (aa, si, gofs) in enumerate(_CT_SPECS):
                if aa != a:
                    continue
                v = x_ref[0, si:si + hi, gofs:gofs + wg, :].reshape(
                    hi * wg, 128)
                acc = acc + jnp.dot(v, w_ref[idx],
                                    preferred_element_type=_F32)
            r = jnp.maximum(acc + b_ref[0:1, :], 0.0)
            o_ref[0, 1:113, a, 1:29, :] = r.reshape(hi, wg, 128)
        _zero_borders(o_ref, 112)

    return pl.pallas_call(
        body,
        grid=(n,),
        in_specs=[pl.BlockSpec((1, 113, 29, 128), lambda i: (i, 0, 0, 0)),
                  pl.BlockSpec((6, 128, 128), lambda i: (0, 0, 0)),
                  pl.BlockSpec((1, 128), lambda i: (0, 0))],
        out_specs=pl.BlockSpec((1, 115, 2, 30, 128),
                               lambda i: (i, 0, 0, 0, 0)),
        out_shape=jax.ShapeDtypeStruct((n, 115, 2, 30, 128), _F32),
    )(xg, w6, b2)


def _conv4t_loss(xf, w9, b2, target):
    n = xf.shape[0]

    def body(x_ref, w_ref, b_ref, t_ref, o_ref, sse_ref):
        i = pl.program_id(0)

        @pl.when(i == 0)
        def _():
            sse_ref[0, 0] = 0.0

        for c in (0, 1):
            acc = jnp.zeros((112 * 28, 24), _F32)
            for dy in range(3):
                q, pu = divmod(c + dy - 1, 2)
                u0 = 1 + q
                for s in range(3):
                    a = x_ref[0, u0:u0 + 112, pu, s:s + 28, :].reshape(
                        112 * 28, 128)
                    acc = acc + jnp.dot(a, w_ref[dy * 3 + s],
                                        preferred_element_type=_F32)
            v = acc + b_ref[0:1, :]
            o_ref[0, :, c, :, :] = v.reshape(112, 28, 24)
            dlt = v - t_ref[0, :, c, :, :].reshape(112 * 28, 24)
            sse_ref[0, 0] += jnp.sum(dlt * dlt)

    return pl.pallas_call(
        body,
        grid=(n,),
        in_specs=[pl.BlockSpec((1, 115, 2, 30, 128),
                               lambda i: (i, 0, 0, 0, 0)),
                  pl.BlockSpec((9, 128, 24), lambda i: (0, 0, 0)),
                  pl.BlockSpec((1, 24), lambda i: (0, 0)),
                  pl.BlockSpec((1, 112, 2, 28, 24),
                               lambda i: (i, 0, 0, 0, 0))],
        out_specs=[pl.BlockSpec((1, 112, 2, 28, 24),
                                lambda i: (i, 0, 0, 0, 0)),
                   pl.BlockSpec((1, 1), lambda i: (0, 0),
                                memory_space=pltpu.SMEM)],
        out_shape=[jax.ShapeDtypeStruct((n, 112, 2, 28, 24), _F32),
                   jax.ShapeDtypeStruct((1, 1), _F32)],
    )(xf, w9, b2, target)


def kernel(x, ew1, eb1, ew2, eb2, ew3, eb3, ew4, eb4,
           dw1, db1, dw2, db2, dw3, db3, dw4, db4, embed):
    n = x.shape[0]
    g = 8
    xh = jnp.transpose(x, (0, 2, 3, 1))

    xg = jnp.pad(xh, ((0, 0), (1, 1), (g, g), (0, 0))).reshape(n, 226, 30, 24)
    w1 = _gfold_w(jnp.transpose(ew1, (2, 3, 1, 0)), g)
    a2 = _conv1(xg, w1, jnp.tile(eb1, g)[None, :])
    w2 = _gfold_s2_w(jnp.transpose(ew2, (2, 3, 1, 0)), 4)
    a3 = _conv_s2(a2, w2, jnp.tile(eb2, 4)[None, :], True)
    w3 = _gfold_s2_w(jnp.transpose(ew3, (2, 3, 1, 0)), 2)
    a4 = _conv_s2(a3, w3, jnp.tile(eb3, 2)[None, :], True)
    w4e = _gfold_s2_w(jnp.transpose(ew4, (2, 3, 1, 0)), 1)
    z = _conv_s2(a4, w4e, eb4[None, :], False)

    idx = _vq_idx(z, embed)
    zq_flat = _sc_gather(embed, idx.reshape(-1))
    zq = zq_flat.reshape(n, 800, 128)[:, 0:784, :].reshape(n, 28, 28, 128)
    zqp = jnp.pad(zq, ((0, 0), (0, 1), (0, 1), (0, 0)))

    wt1 = _gfoldt_w(_tap_wT(dw1), 1)
    d1, sse_vq = _convt1_sse(zqp, wt1, jnp.tile(db1, 2)[None, :], z)
    diff = 2.0 * sse_vq[0, 0] / float(z.size)
    d1 = d1.reshape(n, 56, 56, 64)
    t2in = jnp.pad(d1, ((0, 0), (0, 1), (0, 2), (0, 0))).reshape(
        n, 57, 29, 128)
    wt2 = _gfoldt_w(_tap_wT(dw2), 2)
    d2 = _convt_s2(t2in, wt2, jnp.tile(db2, 4)[None, :])
    d2 = d2.reshape(n, 112, 112, 32)
    t3in = jnp.pad(d2, ((0, 0), (0, 1), (0, 4), (0, 0))).reshape(
        n, 113, 29, 128)
    wt3 = _gfoldt_w(_tap_wT(dw3), 4)
    d3f = _convt3(t3in, wt3, jnp.tile(db3, 8)[None, :])

    w4 = _gfold_w(jnp.transpose(jnp.flip(dw4, (2, 3)), (2, 3, 0, 1)), g)
    xh_f = xh.reshape(n, 112, 2, 28, 24)
    x_rec_f, sse_rec = _conv4t_loss(d3f, w4, jnp.tile(db4, g)[None, :], xh_f)

    x_rec = jnp.transpose(x_rec_f.reshape(n, 224, 224, 3), (0, 3, 1, 2))
    loss = sse_rec[0, 0] / float(x_rec.size) + 0.25 * diff
    return (x_rec, loss)

# --- scband reference (transcript-rebuilt; emitter-appended) ---
"""Pipeline reference for scband-vqcae-19344532701261 (READ-ONLY COPY).

The authoritative reference and input builder live on the scoring server;
editing this copy changes nothing except your own understanding.
"""

import jax, jax.numpy as jnp
import numpy as np


def _conv(x, w, b, s, p):
    out = jax.lax.conv_general_dilated(x, w, (s, s), [(p, p), (p, p)],
                                       dimension_numbers=('NCHW', 'OIHW', 'NCHW'))
    return out + b[None, :, None, None]


def _convT(x, w, b, s, p, op):
    # PyTorch ConvTranspose2d weight layout: (in, out, kH, kW)
    wf = jnp.flip(w, axis=(2, 3)).transpose(1, 0, 2, 3)
    k = w.shape[2]
    lo = k - 1 - p
    hi = k - 1 - p + op
    out = jax.lax.conv_general_dilated(x, wf, (1, 1), [(lo, hi), (lo, hi)],
                                       lhs_dilation=(s, s),
                                       dimension_numbers=('NCHW', 'OIHW', 'NCHW'))
    return out + b[None, :, None, None]


def setup_inputs(seed: int = 0) -> dict:
    key = jax.random.key(seed)
    ks = jax.random.split(key, 20)

    def w(k, shape, fan):
        return jax.random.normal(k, shape, dtype=jnp.float32) * np.float32(1.0 / np.sqrt(fan))

    inp = {}
    inp['x'] = jax.random.normal(ks[0], (8, 3, 224, 224), dtype=jnp.float32)
    inp['ew1'] = w(ks[1], (16, 3, 3, 3), 3 * 9); inp['eb1'] = jnp.zeros((16,), jnp.float32)
    inp['ew2'] = w(ks[2], (32, 16, 3, 3), 16 * 9); inp['eb2'] = jnp.zeros((32,), jnp.float32)
    inp['ew3'] = w(ks[3], (64, 32, 3, 3), 32 * 9); inp['eb3'] = jnp.zeros((64,), jnp.float32)
    inp['ew4'] = w(ks[4], (128, 64, 3, 3), 64 * 9); inp['eb4'] = jnp.zeros((128,), jnp.float32)
    inp['dw1'] = w(ks[5], (128, 64, 3, 3), 128 * 9); inp['db1'] = jnp.zeros((64,), jnp.float32)
    inp['dw2'] = w(ks[6], (64, 32, 3, 3), 64 * 9); inp['db2'] = jnp.zeros((32,), jnp.float32)
    inp['dw3'] = w(ks[7], (32, 16, 3, 3), 32 * 9); inp['db3'] = jnp.zeros((16,), jnp.float32)
    inp['dw4'] = w(ks[8], (16, 3, 3, 3), 16 * 9); inp['db4'] = jnp.zeros((3,), jnp.float32)
    inp['embed'] = jax.random.uniform(ks[9], (512, 128), dtype=jnp.float32,
                                      minval=-1.0 / 512, maxval=1.0 / 512)
    return inp


def reference(x, ew1, eb1, ew2, eb2, ew3, eb3, ew4, eb4,
              dw1, db1, dw2, db2, dw3, db3, dw4, db4, embed):
    # Encoder
    h = jax.nn.relu(_conv(x, ew1, eb1, 1, 1))
    h = jax.nn.relu(_conv(h, ew2, eb2, 2, 1))
    h = jax.nn.relu(_conv(h, ew3, eb3, 2, 1))
    z_e = jax.nn.relu(_conv(h, ew4, eb4, 2, 1))
    # NCHW -> NHWC
    z = z_e.transpose(0, 2, 3, 1)
    flat = z.reshape(-1, 128)
    # squared euclidean distances (argmin matches cdist argmin)
    d2 = (jnp.sum(flat ** 2, axis=1, keepdims=True)
          - 2.0 * flat @ embed.T
          + jnp.sum(embed ** 2, axis=1)[None, :])
    idxs = jnp.argmin(d2, axis=1)
    z_q = jnp.take(embed, idxs, axis=0).reshape(z.shape)
    diff = (jnp.mean((jax.lax.stop_gradient(z_q) - z) ** 2)
            + jnp.mean((z_q - jax.lax.stop_gradient(z)) ** 2))
    z_q = z + jax.lax.stop_gradient(z_q - z)
    zq = z_q.transpose(0, 3, 1, 2)
    # Decoder
    h = jax.nn.relu(_convT(zq, dw1, db1, 2, 1, 1))
    h = jax.nn.relu(_convT(h, dw2, db2, 2, 1, 1))
    h = jax.nn.relu(_convT(h, dw3, db3, 2, 1, 1))
    x_rec = _convT(h, dw4, db4, 1, 1, 0)
    loss = jnp.mean((x_rec - x) ** 2) + 0.25 * diff
    return (x_rec, loss)

if __name__ == "__main__":
    import jax
    _d = setup_inputs()
    print(jax.jit(kernel)(*tuple(_d.values())))

</pallas_src>

<mosaic_0001>
#map = affine_map<(d0, d1) -> (0, 0)>
#map1 = affine_map<(d0, d1) -> (0)>
module attributes {stable_mosaic.version = 14 : i64} {
  func.func @k(%arg0: i32, %arg1: i32, %arg2: memref<512x128xf32, #tpu.memory_space<hbm>>, %arg3: memref<6400xi32, #tpu.memory_space<hbm>>, %arg4: memref<6400x128xf32, #tpu.memory_space<hbm>>, %arg5: memref<200xi32, #tpu.memory_space<vmem>>, %arg6: memref<200x128xf32, #tpu.memory_space<vmem>>, %arg7: memref<!tpu.dma_semaphore, #tpu.memory_space<semaphore_mem>>) attributes {dimension_semantics = [#tpu.dimension_semantics<core_parallel>, #tpu.dimension_semantics<subcore_parallel>], iteration_bounds = array<i64: 2, 16>, scalar_prefetch = 0 : i64, scratch_operands = 3 : i64, tpu.core_type = #tpu.core_type<sc_vector_subcore>, window_params = [{transform_indices = #map}, {transform_indices = #map1}, {transform_indices = #map}]} {
    %mul3A = arith.constant 2 : i32
    %mul3A_0 = arith.muli %arg1, %mul3A : i32
    %add3A = arith.addi %mul3A_0, %arg0 : i32
    %mul3A_1 = arith.constant 200 : i32
    %mul3A_2 = arith.muli %add3A, %mul3A_1 : i32
    "tpu.region"() ({
      %run_scoped3A = tpu.sem_alloc : memref<!tpu.dma_semaphore, #tpu.memory_space<semaphore_mem>>
      %dma_start3A_7 = tpu.memref_slice %arg3[%mul3A_2] : memref<6400xi32, #tpu.memory_space<hbm>> -> memref<200xi32, #tpu.memory_space<hbm>>
      %dma_start3A_8 = tpu.memref_slice %arg3[%mul3A_2] : memref<6400xi32, #tpu.memory_space<hbm>> -> memref<200xi32, #tpu.memory_space<hbm>>
      tpu.enqueue_dma source(%dma_start3A_8 : memref<200xi32, #tpu.memory_space<hbm>>) target(%arg5 : memref<200xi32, #tpu.memory_space<vmem>>) target_semaphore(%run_scoped3A : memref<!tpu.dma_semaphore, #tpu.memory_space<semaphore_mem>>)
      %dma_wait3A_9 = tpu.memref_slice %arg3[%mul3A_2] : memref<6400xi32, #tpu.memory_space<hbm>> -> memref<200xi32, #tpu.memory_space<hbm>>
      %dma_wait3A_10 = tpu.memref_slice %arg3[%mul3A_2] : memref<6400xi32, #tpu.memory_space<hbm>> -> memref<200xi32, #tpu.memory_space<hbm>>
      tpu.wait_dma2 semaphore(%run_scoped3A : memref<!tpu.dma_semaphore, #tpu.memory_space<semaphore_mem>>) src(%dma_wait3A_10 : memref<200xi32, #tpu.memory_space<hbm>>) dst(%arg5 : memref<200xi32, #tpu.memory_space<vmem>>)
      tpu.yield
    }) : () -> ()
    %dma_start3A = arith.constant 0 : i32
    %dma_start3A_3 = arith.constant 0 : i32
    %dma_start3A_4 = tpu.memref_slice %arg2[%dma_start3A, %dma_start3A_3] : memref<512x128xf32, #tpu.memory_space<hbm>> -> memref<512x128xf32, #tpu.memory_space<hbm>>
    tpu.enqueue_indirect_dma source(%dma_start3A_4 : memref<512x128xf32, #tpu.memory_space<hbm>>) target(%arg6 : memref<200x128xf32, #tpu.memory_space<vmem>>) offsets(%arg5 : memref<200xi32, #tpu.memory_space<vmem>>) semaphore(%arg7 : memref<!tpu.dma_semaphore, #tpu.memory_space<semaphore_mem>>)
    %dma_wait3A = arith.constant 0 : i32
    %dma_wait3A_5 = arith.constant 0 : i32
    %dma_wait3A_6 = tpu.memref_slice %arg2[%dma_wait3A, %dma_wait3A_5] : memref<512x128xf32, #tpu.memory_space<hbm>> -> memref<512x128xf32, #tpu.memory_space<hbm>>
    tpu.wait_indirect_dma semaphore(%arg7 : memref<!tpu.dma_semaphore, #tpu.memory_space<semaphore_mem>>) src(%dma_wait3A_6 : memref<512x128xf32, #tpu.memory_space<hbm>>) dst(%arg6 : memref<200x128xf32, #tpu.memory_space<vmem>>)
    "tpu.region"() ({
      %run_scoped3A = tpu.sem_alloc : memref<!tpu.dma_semaphore, #tpu.memory_space<semaphore_mem>>
      %dma_start3A_7 = arith.constant 0 : i32
      %dma_start3A_8 = tpu.memref_slice %arg4[%mul3A_2, %dma_start3A_7] : memref<6400x128xf32, #tpu.memory_space<hbm>> -> memref<200x128xf32, #tpu.memory_space<hbm>>
      %dma_start3A_9 = arith.constant 0 : i32
      %dma_start3A_10 = tpu.memref_slice %arg4[%mul3A_2, %dma_start3A_9] : memref<6400x128xf32, #tpu.memory_space<hbm>> -> memref<200x128xf32, #tpu.memory_space<hbm>>
      tpu.enqueue_dma source(%arg6 : memref<200x128xf32, #tpu.memory_space<vmem>>) target(%dma_start3A_10 : memref<200x128xf32, #tpu.memory_space<hbm>>) target_semaphore(%run_scoped3A : memref<!tpu.dma_semaphore, #tpu.memory_space<semaphore_mem>>)
      %dma_wait3A_11 = arith.constant 0 : i32
      %dma_wait3A_12 = tpu.memref_slice %arg4[%mul3A_2, %dma_wait3A_11] : memref<6400x128xf32, #tpu.memory_space<hbm>> -> memref<200x128xf32, #tpu.memory_space<hbm>>
      %dma_wait3A_13 = arith.constant 0 : i32
      %dma_wait3A_14 = tpu.memref_slice %arg4[%mul3A_2, %dma_wait3A_13] : memref<6400x128xf32, #tpu.memory_space<hbm>> -> memref<200x128xf32, #tpu.memory_space<hbm>>
      tpu.wait_dma2 semaphore(%run_scoped3A : memref<!tpu.dma_semaphore, #tpu.memory_space<semaphore_mem>>) src(%arg6 : memref<200x128xf32, #tpu.memory_space<vmem>>) dst(%dma_wait3A_14 : memref<200x128xf32, #tpu.memory_space<hbm>>)
      tpu.yield
    }) : () -> ()
    return
  }
}

module attributes {stable_mosaic.version = 14 : i64} {
  func.func @body(%arg0: i32, %arg1: memref<1x114x2x30x128xf32, #tpu.memory_space<vmem>>, %arg2: memref<6x128x128xf32, #tpu.memory_space<vmem>>, %arg3: memref<1x128xf32, #tpu.memory_space<vmem>>, %arg4: memref<1x58x2x30x128xf32, #tpu.memory_space<vmem>>) attributes {dimension_semantics = [#tpu.dimension_semantics<arbitrary>], iteration_bounds = array<i64: 8>, scalar_prefetch = 0 : i64, scratch_operands = 0 : i64, tpu.core_type = #tpu.core_type<tc>, window_params = [{transform_indices = @transform_0, window_bounds = array<i64: 1, 114, 2, 30, 128>}, {pipeline_mode = #tpu.pipeline_mode<synchronous>, transform_indices = @transform_1, window_bounds = array<i64: 6, 128, 128>}, {pipeline_mode = #tpu.pipeline_mode<synchronous>, transform_indices = @transform_2, window_bounds = array<i64: 1, 128>}, {transform_indices = @transform_3, window_bounds = array<i64: 1, 58, 2, 30, 128>}]} {
    %broadcast_in_dim3A = arith.constant 0.000000e+00 : f32
    %broadcast_in_dim3A_0 = vector.broadcast %broadcast_in_dim3A : f32 to vector<3136x128xf32>
    %get3A = arith.constant 0 : index
    %get3A_1 = arith.constant 0 : index
    %get3A_2 = arith.constant 1 : index
    %get3A_3 = arith.constant 0 : index
    %get3A_4 = arith.constant 0 : index
    %get3A_5 = vector.load %arg1[%get3A, %get3A_1, %get3A_2, %get3A_3, %get3A_4] : memref<1x114x2x30x128xf32, #tpu.memory_space<vmem>>, vector<1x112x1x28x128xf32>
    %get3A_6 = vector.shape_cast %get3A_5 : vector<1x112x1x28x128xf32> to vector<112x28x128xf32>
    %reshape3A = vector.shape_cast %get3A_6 : vector<112x28x128xf32> to vector<3136x128xf32>
    %get3A_7 = arith.constant 0 : index
    %get3A_8 = arith.constant 0 : index
    %get3A_9 = arith.constant 0 : index
    %get3A_10 = vector.load %arg2[%get3A_7, %get3A_8, %get3A_9] : memref<6x128x128xf32, #tpu.memory_space<vmem>>, vector<1x128x128xf32>
    %get3A_11 = vector.shape_cast %get3A_10 : vector<1x128x128xf32> to vector<128x128xf32>
    %dot_general3A = arith.constant dense<0.000000e+00> : vector<3136x128xf32>
    %dot_general3A_12 = tpu.matmul %reshape3A, %get3A_11, %dot_general3A {dimension_numbers = #tpu.dot_dimension_numbers<[1], [0], [0], [1], [0, 0, 1, 1], [], []>, transpose_lhs_hint = false} : vector<3136x128xf32>, vector<128x128xf32>, vector<3136x128xf32> -> vector<3136x128xf32>
    %add3A = arith.addf %broadcast_in_dim3A_0, %dot_general3A_12 : vector<3136x128xf32>
    %get3A_13 = arith.constant 0 : index
    %get3A_14 = arith.constant 0 : index
    %get3A_15 = arith.constant 1 : index
    %get3A_16 = arith.constant 1 : index
    %get3A_17 = arith.constant 0 : index
    %get3A_18 = vector.load %arg1[%get3A_13, %get3A_14, %get3A_15, %get3A_16, %get3A_17] : memref<1x114x2x30x128xf32, #tpu.memory_space<vmem>>, vector<1x112x1x28x128xf32>
    %get3A_19 = vector.shape_cast %get3A_18 : vector<1x112x1x28x128xf32> to vector<112x28x128xf32>
    %reshape3A_20 = vector.shape_cast %get3A_19 : vector<112x28x128xf32> to vector<3136x128xf32>
    %get3A_21 = arith.constant 1 : index
    %get3A_22 = arith.constant 0 : index
    %get3A_23 = arith.constant 0 : index
    %get3A_24 = vector.load %arg2[%get3A_21, %get3A_22, %get3A_23] : memref<6x128x128xf32, #tpu.memory_space<vmem>>, vector<1x128x128xf32>
    %get3A_25 = vector.shape_cast %get3A_24 : vector<1x128x128xf32> to vector<128x128xf32>
    %dot_general3A_26 = arith.constant dense<0.000000e+00> : vector<3136x128xf32>
    %dot_general3A_27 = tpu.matmul %reshape3A_20, %get3A_25, %dot_general3A_26 {dimension_numbers = #tpu.dot_dimension_numbers<[1], [0], [0], [1], [0, 0, 1, 1], [], []>, transpose_lhs_hint = false} : vector<3136x128xf32>, vector<128x128xf32>, vector<3136x128xf32> -> vector<3136x128xf32>
    %add3A_28 = arith.addf %add3A, %dot_general3A_27 : vector<3136x128xf32>
    %get3A_29 = arith.constant 0 : index
    %get3A_30 = arith.constant 1 : index
    %get3A_31 = arith.constant 0 : index
    %get3A_32 = arith.constant 0 : index
    %get3A_33 = arith.constant 0 : index
    %get3A_34 = vector.load %arg1[%get3A_29, %get3A_30, %get3A_31, %get3A_32, %get3A_33] : memref<1x114x2x30x128xf32, #tpu.memory_space<vmem>>, vector<1x112x1x28x128xf32>
    %get3A_35 = vector.shape_cast %get3A_34 : vector<1x112x1x28x128xf32> to vector<112x28x128xf32>
    %reshape3A_36 = vector.shape_cast %get3A_35 : vector<112x28x128xf32> to vector<3136x128xf32>
    %get3A_37 = arith.constant 2 : index
    %get3A_38 = arith.constant 0 : index
    %get3A_39 = arith.constant 0 : index
    %get3A_40 = vector.load %arg2[%get3A_37, %get3A_38, %get3A_39] : memref<6x128x128xf32, #tpu.memory_space<vmem>>, vector<1x128x128xf32>
    %get3A_41 = vector.shape_cast %get3A_40 : vector<1x128x128xf32> to vector<128x128xf32>
    %dot_general3A_42 = arith.constant dense<0.000000e+00> : vector<3136x128xf32>
    %dot_general3A_43 = tpu.matmul %reshape3A_36, %get3A_41, %dot_general3A_42 {dimension_numbers = #tpu.dot_dimension_numbers<[1], [0], [0], [1], [0, 0, 1, 1], [], []>, transpose_lhs_hint = false} : vector<3136x128xf32>, vector<128x128xf32>, vector<3136x128xf32> -> vector<3136x128xf32>
    %add3A_44 = arith.addf %add3A_28, %dot_general3A_43 : vector<3136x128xf32>
    %get3A_45 = arith.constant 0 : index
    %get3A_46 = arith.constant 1 : index
    %get3A_47 = arith.constant 0 : index
    %get3A_48 = arith.constant 1 : index
    %get3A_49 = arith.constant 0 : index
    %get3A_50 = vector.load %arg1[%get3A_45, %get3A_46, %get3A_47, %get3A_48, %get3A_49] : memref<1x114x2x30x128xf32, #tpu.memory_space<vmem>>, vector<1x112x1x28x128xf32>
    %get3A_51 = vector.shape_cast %get3A_50 : vector<1x112x1x28x128xf32> to vector<112x28x128xf32>
    %reshape3A_52 = vector.shape_cast %get3A_51 : vector<112x28x128xf32> to vector<3136x128xf32>
    %get3A_53 = arith.constant 3 : index
    %get3A_54 = arith.constant 0 : index
    %get3A_55 = arith.constant 0 : index
    %get3A_56 = vector.load %arg2[%get3A_53, %get3A_54, %get3A_55] : memref<6x128x128xf32, #tpu.memory_space<vmem>>, vector<1x128x128xf32>
    %get3A_57 = vector.shape_cast %get3A_56 : vector<1x128x128xf32> to vector<128x128xf32>
    %dot_general3A_58 = arith.constant dense<0.000000e+00> : vector<3136x128xf32>
    %dot_general3A_59 = tpu.matmul %reshape3A_52, %get3A_57, %dot_general3A_58 {dimension_numbers = #tpu.dot_dimension_numbers<[1], [0], [0], [1], [0, 0, 1, 1], [], []>, transpose_lhs_hint = false} : vector<3136x128xf32>, vector<128x128xf32>, vector<3136x128xf32> -> vector<3136x128xf32>
    %add3A_60 = arith.addf %add3A_44, %dot_general3A_59 : vector<3136x128xf32>
    %get3A_61 = arith.constant 0 : index
    %get3A_62 = arith.constant 1 : index
    %get3A_63 = arith.constant 1 : index
    %get3A_64 = arith.constant 0 : index
    %get3A_65 = arith.constant 0 : index
    %get3A_66 = vector.load %arg1[%get3A_61, %get3A_62, %get3A_63, %get3A_64, %get3A_65] : memref<1x114x2x30x128xf32, #tpu.memory_space<vmem>>, vector<1x112x1x28x128xf32>
    %get3A_67 = vector.shape_cast %get3A_66 : vector<1x112x1x28x128xf32> to vector<112x28x128xf32>
    %reshape3A_68 = vector.shape_cast %get3A_67 : vector<112x28x128xf32> to vector<3136x128xf32>
    %get3A_69 = arith.constant 4 : index
    %get3A_70 = arith.constant 0 : index
    %get3A_71 = arith.constant 0 : index
    %get3A_72 = vector.load %arg2[%get3A_69, %get3A_70, %get3A_71] : memref<6x128x128xf32, #tpu.memory_space<vmem>>, vector<1x128x128xf32>
    %get3A_73 = vector.shape_cast %get3A_72 : vector<1x128x128xf32> to vector<128x128xf32>
    %dot_general3A_74 = arith.constant dense<0.000000e+00> : vector<3136x128xf32>
    %dot_general3A_75 = tpu.matmul %reshape3A_68, %get3A_73, %dot_general3A_74 {dimension_numbers = #tpu.dot_dimension_numbers<[1], [0], [0], [1], [0, 0, 1, 1], [], []>, transpose_lhs_hint = false} : vector<3136x128xf32>, vector<128x128xf32>, vector<3136x128xf32> -> vector<3136x128xf32>
    %add3A_76 = arith.addf %add3A_60, %dot_general3A_75 : vector<3136x128xf32>
    %get3A_77 = arith.constant 0 : index
    %get3A_78 = arith.constant 1 : index
    %get3A_79 = arith.constant 1 : index
    %get3A_80 = arith.constant 1 : index
    %get3A_81 = arith.constant 0 : index
    %get3A_82 = vector.load %arg1[%get3A_77, %get3A_78, %get3A_79, %get3A_80, %get3A_81] : memref<1x114x2x30x128xf32, #tpu.memory_space<vmem>>, vector<1x112x1x28x128xf32>
    %get3A_83 = vector.shape_cast %get3A_82 : vector<1x112x1x28x128xf32> to vector<112x28x128xf32>
    %reshape3A_84 = vector.shape_cast %get3A_83 : vector<112x28x128xf32> to vector<3136x128xf32>
    %get3A_85 = arith.constant 5 : index
    %get3A_86 = arith.constant 0 : index
    %get3A_87 = arith.constant 0 : index
    %get3A_88 = vector.load %arg2[%get3A_85, %get3A_86, %get3A_87] : memref<6x128x128xf32, #tpu.memory_space<vmem>>, vector<1x128x128xf32>
    %get3A_89 = vector.shape_cast %get3A_88 : vector<1x128x128xf32> to vector<128x128xf32>
    %dot_general3A_90 = arith.constant dense<0.000000e+00> : vector<3136x128xf32>
    %dot_general3A_91 = tpu.matmul %reshape3A_84, %get3A_89, %dot_general3A_90 {dimension_numbers = #tpu.dot_dimension_numbers<[1], [0], [0], [1], [0, 0, 1, 1], [], []>, transpose_lhs_hint = false} : vector<3136x128xf32>, vector<128x128xf32>, vector<3136x128xf32> -> vector<3136x128xf32>
    %add3A_92 = arith.addf %add3A_76, %dot_general3A_91 : vector<3136x128xf32>
    %get3A_93 = arith.constant 0 : index
    %get3A_94 = arith.constant 0 : index
    %get3A_95 = vector.load %arg3[%get3A_93, %get3A_94] : memref<1x128xf32, #tpu.memory_space<vmem>>, vector<1x128xf32>
    %add3A_96 = vector.broadcast %get3A_95 : vector<1x128xf32> to vector<3136x128xf32>
    %add3A_97 = arith.addf %add3A_92, %add3A_96 : vector<3136x128xf32>
    %max3A = arith.constant 0.000000e+00 : f32
    %max3A_98 = vector.broadcast %max3A : f32 to vector<3136x128xf32>
    %max3A_99 = arith.maximumf %add3A_97, %max3A_98 : vector<3136x128xf32>
    %reshape3A_100 = vector.shape_cast %max3A_99 : vector<3136x128xf32> to vector<56x2x28x128xf32>
    %swap3A = arith.constant 0 : index
    %swap3A_101 = arith.constant 1 : index
    %swap3A_102 = arith.constant 0 : index
    %swap3A_103 = arith.constant 1 : index
    %swap3A_104 = arith.constant 0 : index
    %swap3A_105 = vector.load %arg4[%swap3A, %swap3A_101, %swap3A_102, %swap3A_103, %swap3A_104] : memref<1x58x2x30x128xf32, #tpu.memory_space<vmem>>, vector<1x56x2x28x128xf32>
    %swap3A_106 = vector.shape_cast %swap3A_105 : vector<1x56x2x28x128xf32> to vector<56x2x28x128xf32>
    %swap3A_107 = vector.shape_cast %reshape3A_100 : vector<56x2x28x128xf32> to vector<1x56x2x28x128xf32>
    tpu.vector_store %arg4[%swap3A, %swap3A_101, %swap3A_102, %swap3A_103, %swap3A_104], %swap3A_107 {strides = array<i32>} : memref<1x58x2x30x128xf32, #tpu.memory_space<vmem>>, vector<1x56x2x28x128xf32>,
    %broadcast_in_dim3A_108 = arith.constant 0.000000e+00 : f32
    %broadcast_in_dim3A_109 = vector.broadcast %broadcast_in_dim3A_108 : f32 to vector<2x30x128xf32>
    %swap3A_110 = arith.constant 0 : index
    %swap3A_111 = arith.constant 0 : index
    %swap3A_112 = arith.constant 0 : index
    %swap3A_113 = arith.constant 0 : index
    %swap3A_114 = arith.constant 0 : index
    %swap3A_115 = vector.load %arg4[%swap3A_110, %swap3A_111, %swap3A_112, %swap3A_113, %swap3A_114] : memref<1x58x2x30x128xf32, #tpu.memory_space<vmem>>, vector<1x1x2x30x128xf32>
    %swap3A_116 = vector.shape_cast %swap3A_115 : vector<1x1x2x30x128xf32> to vector<2x30x128xf32>
    %swap3A_117 = vector.shape_cast %broadcast_in_dim3A_109 : vector<2x30x128xf32> to vector<1x1x2x30x128xf32>
    tpu.vector_store %arg4[%swap3A_110, %swap3A_111, %swap3A_112, %swap3A_113, %swap3A_114], %swap3A_117 {strides = array<i32>} : memref<1x58x2x30x128xf32, #tpu.memory_space<vmem>>, vector<1x1x2x30x128xf32>,
    %broadcast_in_dim3A_118 = arith.constant 0.000000e+00 : f32
    %broadcast_in_dim3A_119 = vector.broadcast %broadcast_in_dim3A_118 : f32 to vector<2x30x128xf32>
    %swap3A_120 = arith.constant 0 : index
    %swap3A_121 = arith.constant 57 : index
    %swap3A_122 = arith.constant 0 : index
    %swap3A_123 = arith.constant 0 : index
    %swap3A_124 = arith.constant 0 : index
    %swap3A_125 = vector.load %arg4[%swap3A_120, %swap3A_121, %swap3A_122, %swap3A_123, %swap3A_124] : memref<1x58x2x30x128xf32, #tpu.memory_space<vmem>>, vector<1x1x2x30x128xf32>
    %swap3A_126 = vector.shape_cast %swap3A_125 : vector<1x1x2x30x128xf32> to vector<2x30x128xf32>
    %swap3A_127 = vector.shape_cast %broadcast_in_dim3A_119 : vector<2x30x128xf32> to vector<1x1x2x30x128xf32>
    tpu.vector_store %arg4[%swap3A_120, %swap3A_121, %swap3A_122, %swap3A_123, %swap3A_124], %swap3A_127 {strides = array<i32>} : memref<1x58x2x30x128xf32, #tpu.memory_space<vmem>>, vector<1x1x2x30x128xf32>,
    %broadcast_in_dim3A_128 = arith.constant 0.000000e+00 : f32
    %broadcast_in_dim3A_129 = vector.broadcast %broadcast_in_dim3A_128 : f32 to vector<58x2x128xf32>
    %swap3A_130 = arith.constant 0 : index
    %swap3A_131 = arith.constant 0 : index
    %swap3A_132 = arith.constant 0 : index
    %swap3A_133 = arith.constant 0 : index
    %swap3A_134 = arith.constant 0 : index
    %swap3A_135 = vector.load %arg4[%swap3A_130, %swap3A_131, %swap3A_132, %swap3A_133, %swap3A_134] : memref<1x58x2x30x128xf32, #tpu.memory_space<vmem>>, vector<1x58x2x1x128xf32>
    %swap3A_136 = vector.shape_cast %swap3A_135 : vector<1x58x2x1x128xf32> to vector<58x2x128xf32>
    %swap3A_137 = vector.shape_cast %broadcast_in_dim3A_129 : vector<58x2x128xf32> to vector<1x58x2x1x128xf32>
    tpu.vector_store %arg4[%swap3A_130, %swap3A_131, %swap3A_132, %swap3A_133, %swap3A_134], %swap3A_137 {strides = array<i32>} : memref<1x58x2x30x128xf32, #tpu.memory_space<vmem>>, vector<1x58x2x1x128xf32>,
    %broadcast_in_dim3A_138 = arith.constant 0.000000e+00 : f32
    %broadcast_in_dim3A_139 = vector.broadcast %broadcast_in_dim3A_138 : f32 to vector<58x2x128xf32>
    %swap3A_140 = arith.constant 0 : index
    %swap3A_141 = arith.constant 0 : index
    %swap3A_142 = arith.constant 0 : index
    %swap3A_143 = arith.constant 29 : index
    %swap3A_144 = arith.constant 0 : index
    %swap3A_145 = vector.load %arg4[%swap3A_140, %swap3A_141, %swap3A_142, %swap3A_143, %swap3A_144] : memref<1x58x2x30x128xf32, #tpu.memory_space<vmem>>, vector<1x58x2x1x128xf32>
    %swap3A_146 = vector.shape_cast %swap3A_145 : vector<1x58x2x1x128xf32> to vector<58x2x128xf32>
    %swap3A_147 = vector.shape_cast %broadcast_in_dim3A_139 : vector<58x2x128xf32> to vector<1x58x2x1x128xf32>
    tpu.vector_store %arg4[%swap3A_140, %swap3A_141, %swap3A_142, %swap3A_143, %swap3A_144], %swap3A_147 {strides = array<i32>} : memref<1x58x2x30x128xf32, #tpu.memory_space<vmem>>, vector<1x58x2x1x128xf32>,
    return
  }
  func.func @transform_0(%arg0: i32) -> (i32, i32, i32, i32, i32) {
    %c0_i32 = arith.constant 0 : i32
    %c0_i32_0 = arith.constant 0 : i32
    %c0_i32_1 = arith.constant 0 : i32
    %c0_i32_2 = arith.constant 0 : i32
    %c0_i32_3 = arith.constant 0 : i32
    return %arg0, %c0_i32, %c0_i32_0, %c0_i32_1, %c0_i32_2 : i32, i32, i32, i32, i32
  }
  func.func @transform_1(%arg0: i32) -> (i32, i32, i32) {
    %c0_i32 = arith.constant 0 : i32
    %c0_i32_0 = arith.constant 0 : i32
    %c0_i32_1 = arith.constant 0 : i32
    %c0_i32_2 = arith.constant 0 : i32
    return %c0_i32, %c0_i32_0, %c0_i32_1 : i32, i32, i32
  }
  func.func @transform_2(%arg0: i32) -> (i32, i32) {
    %c0_i32 = arith.constant 0 : i32
    %c0_i32_0 = arith.constant 0 : i32
    %c0_i32_1 = arith.constant 0 : i32
    return %c0_i32, %c0_i32_0 : i32, i32
  }
  func.func @transform_3(%arg0: i32) -> (i32, i32, i32, i32, i32) {
    %c0_i32 = arith.constant 0 : i32
    %c0_i32_0 = arith.constant 0 : i32
    %c0_i32_1 = arith.constant 0 : i32
    %c0_i32_2 = arith.constant 0 : i32
    %c0_i32_3 = arith.constant 0 : i32
    return %arg0, %c0_i32, %c0_i32_0, %c0_i32_1, %c0_i32_2 : i32, i32, i32, i32, i32
  }
}

module attributes {stable_mosaic.version = 14 : i64} {
  func.func @body(%arg0: i32, %arg1: memref<1x226x30x24xf32, #tpu.memory_space<vmem>>, %arg2: memref<9x24x128xf32, #tpu.memory_space<vmem>>, %arg3: memref<1x128xf32, #tpu.memory_space<vmem>>, %arg4: memref<1x114x2x30x128xf32, #tpu.memory_space<vmem>>) attributes {dimension_semantics = [#tpu.dimension_semantics<arbitrary>], iteration_bounds = array<i64: 8>, scalar_prefetch = 0 : i64, scratch_operands = 0 : i64, tpu.core_type = #tpu.core_type<tc>, window_params = [{transform_indices = @transform_0, window_bounds = array<i64: 1, 226, 30, 24>}, {pipeline_mode = #tpu.pipeline_mode<synchronous>, transform_indices = @transform_1, window_bounds = array<i64: 9, 24, 128>}, {pipeline_mode = #tpu.pipeline_mode<synchronous>, transform_indices = @transform_2, window_bounds = array<i64: 1, 128>}, {transform_indices = @transform_3, window_bounds = array<i64: 1, 114, 2, 30, 128>}]} {
    %broadcast_in_dim3A = arith.constant 0.000000e+00 : f32
    %broadcast_in_dim3A_0 = vector.broadcast %broadcast_in_dim3A : f32 to vector<6272x128xf32>
    %get3A = arith.constant 0 : index
    %get3A_1 = arith.constant 0 : index
    %get3A_2 = arith.constant 0 : index
    %get3A_3 = arith.constant 0 : index
    %get3A_4 = vector.load %arg1[%get3A, %get3A_1, %get3A_2, %get3A_3] : memref<1x226x30x24xf32, #tpu.memory_space<vmem>>, vector<1x224x28x24xf32>
    %get3A_5 = vector.shape_cast %get3A_4 : vector<1x224x28x24xf32> to vector<224x28x24xf32>
    %reshape3A = vector.shape_cast %get3A_5 : vector<224x28x24xf32> to vector<6272x24xf32>
    %get3A_6 = arith.constant 0 : index
    %get3A_7 = arith.constant 0 : index
    %get3A_8 = arith.constant 0 : index
    %get3A_9 = vector.load %arg2[%get3A_6, %get3A_7, %get3A_8] : memref<9x24x128xf32, #tpu.memory_space<vmem>>, vector<1x24x128xf32>
    %get3A_10 = vector.shape_cast %get3A_9 : vector<1x24x128xf32> to vector<24x128xf32>
    %dot_general3A = arith.constant dense<0.000000e+00> : vector<6272x128xf32>
    %dot_general3A_11 = tpu.matmul %reshape3A, %get3A_10, %dot_general3A {dimension_numbers = #tpu.dot_dimension_numbers<[1], [0], [0], [1], [0, 0, 1, 1], [], []>, transpose_lhs_hint = false} : vector<6272x24xf32>, vector<24x128xf32>, vector<6272x128xf32> -> vector<6272x128xf32>
    %add3A = arith.addf %broadcast_in_dim3A_0, %dot_general3A_11 : vector<6272x128xf32>
    %get3A_12 = arith.constant 0 : index
    %get3A_13 = arith.constant 0 : index
    %get3A_14 = arith.constant 1 : index
    %get3A_15 = arith.constant 0 : index
    %get3A_16 = vector.load %arg1[%get3A_12, %get3A_13, %get3A_14, %get3A_15] : memref<1x226x30x24xf32, #tpu.memory_space<vmem>>, vector<1x224x28x24xf32>
    %get3A_17 = vector.shape_cast %get3A_16 : vector<1x224x28x24xf32> to vector<224x28x24xf32>
    %reshape3A_18 = vector.shape_cast %get3A_17 : vector<224x28x24xf32> to vector<6272x24xf32>
    %get3A_19 = arith.constant 1 : index
    %get3A_20 = arith.constant 0 : index
    %get3A_21 = arith.constant 0 : index
    %get3A_22 = vector.load %arg2[%get3A_19, %get3A_20, %get3A_21] : memref<9x24x128xf32, #tpu.memory_space<vmem>>, vector<1x24x128xf32>
    %get3A_23 = vector.shape_cast %get3A_22 : vector<1x24x128xf32> to vector<24x128xf32>
    %dot_general3A_24 = arith.constant dense<0.000000e+00> : vector<6272x128xf32>
    %dot_general3A_25 = tpu.matmul %reshape3A_18, %get3A_23, %dot_general3A_24 {dimension_numbers = #tpu.dot_dimension_numbers<[1], [0], [0], [1], [0, 0, 1, 1], [], []>, transpose_lhs_hint = false} : vector<6272x24xf32>, vector<24x128xf32>, vector<6272x128xf32> -> vector<6272x128xf32>
    %add3A_26 = arith.addf %add3A, %dot_general3A_25 : vector<6272x128xf32>
    %get3A_27 = arith.constant 0 : index
    %get3A_28 = arith.constant 0 : index
    %get3A_29 = arith.constant 2 : index
    %get3A_30 = arith.constant 0 : index
    %get3A_31 = vector.load %arg1[%get3A_27, %get3A_28, %get3A_29, %get3A_30] : memref<1x226x30x24xf32, #tpu.memory_space<vmem>>, vector<1x224x28x24xf32>
    %get3A_32 = vector.shape_cast %get3A_31 : vector<1x224x28x24xf32> to vector<224x28x24xf32>
    %reshape3A_33 = vector.shape_cast %get3A_32 : vector<224x28x24xf32> to vector<6272x24xf32>
    %get3A_34 = arith.constant 2 : index
    %get3A_35 = arith.constant 0 : index
    %get3A_36 = arith.constant 0 : index
    %get3A_37 = vector.load %arg2[%get3A_34, %get3A_35, %get3A_36] : memref<9x24x128xf32, #tpu.memory_space<vmem>>, vector<1x24x128xf32>
    %get3A_38 = vector.shape_cast %get3A_37 : vector<1x24x128xf32> to vector<24x128xf32>
    %dot_general3A_39 = arith.constant dense<0.000000e+00> : vector<6272x128xf32>
    %dot_general3A_40 = tpu.matmul %reshape3A_33, %get3A_38, %dot_general3A_39 {dimension_numbers = #tpu.dot_dimension_numbers<[1], [0], [0], [1], [0, 0, 1, 1], [], []>, transpose_lhs_hint = false} : vector<6272x24xf32>, vector<24x128xf32>, vector<6272x128xf32> -> vector<6272x128xf32>
    %add3A_41 = arith.addf %add3A_26, %dot_general3A_40 : vector<6272x128xf32>
    %get3A_42 = arith.constant 0 : index
    %get3A_43 = arith.constant 1 : index
    %get3A_44 = arith.constant 0 : index
    %get3A_45 = arith.constant 0 : index
    %get3A_46 = vector.load %arg1[%get3A_42, %get3A_43, %get3A_44, %get3A_45] : memref<1x226x30x24xf32, #tpu.memory_space<vmem>>, vector<1x224x28x24xf32>
    %get3A_47 = vector.shape_cast %get3A_46 : vector<1x224x28x24xf32> to vector<224x28x24xf32>
    %reshape3A_48 = vector.shape_cast %get3A_47 : vector<224x28x24xf32> to vector<6272x24xf32>
    %get3A_49 = arith.constant 3 : index
    %get3A_50 = arith.constant 0 : index
    %get3A_51 = arith.constant 0 : index
    %get3A_52 = vector.load %arg2[%get3A_49, %get3A_50, %get3A_51] : memref<9x24x128xf32, #tpu.memory_space<vmem>>, vector<1x24x128xf32>
    %get3A_53 = vector.shape_cast %get3A_52 : vector<1x24x128xf32> to vector<24x128xf32>
    %dot_general3A_54 = arith.constant dense<0.000000e+00> : vector<6272x128xf32>
    %dot_general3A_55 = tpu.matmul %reshape3A_48, %get3A_53, %dot_general3A_54 {dimension_numbers = #tpu.dot_dimension_numbers<[1], [0], [0], [1], [0, 0, 1, 1], [], []>, transpose_lhs_hint = false} : vector<6272x24xf32>, vector<24x128xf32>, vector<6272x128xf32> -> vector<6272x128xf32>
    %add3A_56 = arith.addf %add3A_41, %dot_general3A_55 : vector<6272x128xf32>
    %get3A_57 = arith.constant 0 : index
    %get3A_58 = arith.constant 1 : index
    %get3A_59 = arith.constant 1 : index
    %get3A_60 = arith.constant 0 : index
    %get3A_61 = vector.load %arg1[%get3A_57, %get3A_58, %get3A_59, %get3A_60] : memref<1x226x30x24xf32, #tpu.memory_space<vmem>>, vector<1x224x28x24xf32>
    %get3A_62 = vector.shape_cast %get3A_61 : vector<1x224x28x24xf32> to vector<224x28x24xf32>
    %reshape3A_63 = vector.shape_cast %get3A_62 : vector<224x28x24xf32> to vector<6272x24xf32>
    %get3A_64 = arith.constant 4 : index
    %get3A_65 = arith.constant 0 : index
    %get3A_66 = arith.constant 0 : index
    %get3A_67 = vector.load %arg2[%get3A_64, %get3A_65, %get3A_66] : memref<9x24x128xf32, #tpu.memory_space<vmem>>, vector<1x24x128xf32>
    %get3A_68 = vector.shape_cast %get3A_67 : vector<1x24x128xf32> to vector<24x128xf32>
    %dot_general3A_69 = arith.constant dense<0.000000e+00> : vector<6272x128xf32>
    %dot_general3A_70 = tpu.matmul %reshape3A_63, %get3A_68, %dot_general3A_69 {dimension_numbers = #tpu.dot_dimension_numbers<[1], [0], [0], [1], [0, 0, 1, 1], [], []>, transpose_lhs_hint = false} : vector<6272x24xf32>, vector<24x128xf32>, vector<6272x128xf32> -> vector<6272x128xf32>
    %add3A_71 = arith.addf %add3A_56, %dot_general3A_70 : vector<6272x128xf32>
    %get3A_72 = arith.constant 0 : index
    %get3A_73 = arith.constant 1 : index
    %get3A_74 = arith.constant 2 : index
    %get3A_75 = arith.constant 0 : index
    %get3A_76 = vector.load %arg1[%get3A_72, %get3A_73, %get3A_74, %get3A_75] : memref<1x226x30x24xf32, #tpu.memory_space<vmem>>, vector<1x224x28x24xf32>
    %get3A_77 = vector.shape_cast %get3A_76 : vector<1x224x28x24xf32> to vector<224x28x24xf32>
    %reshape3A_78 = vector.shape_cast %get3A_77 : vector<224x28x24xf32> to vector<6272x24xf32>
    %get3A_79 = arith.constant 5 : index
    %get3A_80 = arith.constant 0 : index
    %get3A_81 = arith.constant 0 : index
    %get3A_82 = vector.load %arg2[%get3A_79, %get3A_80, %get3A_81] : memref<9x24x128xf32, #tpu.memory_space<vmem>>, vector<1x24x128xf32>
    %get3A_83 = vector.shape_cast %get3A_82 : vector<1x24x128xf32> to vector<24x128xf32>
    %dot_general3A_84 = arith.constant dense<0.000000e+00> : vector<6272x128xf32>
    %dot_general3A_85 = tpu.matmul %reshape3A_78, %get3A_83, %dot_general3A_84 {dimension_numbers = #tpu.dot_dimension_numbers<[1], [0], [0], [1], [0, 0, 1, 1], [], []>, transpose_lhs_hint = false} : vector<6272x24xf32>, vector<24x128xf32>, vector<6272x128xf32> -> vector<6272x128xf32>
    %add3A_86 = arith.addf %add3A_71, %dot_general3A_85 : vector<6272x128xf32>
    %get3A_87 = arith.constant 0 : index
    %get3A_88 = arith.constant 2 : index
    %get3A_89 = arith.constant 0 : index
    %get3A_90 = arith.constant 0 : index
    %get3A_91 = vector.load %arg1[%get3A_87, %get3A_88, %get3A_89, %get3A_90] : memref<1x226x30x24xf32, #tpu.memory_space<vmem>>, vector<1x224x28x24xf32>
    %get3A_92 = vector.shape_cast %get3A_91 : vector<1x224x28x24xf32> to vector<224x28x24xf32>
    %reshape3A_93 = vector.shape_cast %get3A_92 : vector<224x28x24xf32> to vector<6272x24xf32>
    %get3A_94 = arith.constant 6 : index
    %get3A_95 = arith.constant 0 : index
    %get3A_96 = arith.constant 0 : index
    %get3A_97 = vector.load %arg2[%get3A_94, %get3A_95, %get3A_96] : memref<9x24x128xf32, #tpu.memory_space<vmem>>, vector<1x24x128xf32>
    %get3A_98 = vector.shape_cast %get3A_97 : vector<1x24x128xf32> to vector<24x128xf32>
    %dot_general3A_99 = arith.constant dense<0.000000e+00> : vector<6272x128xf32>
    %dot_general3A_100 = tpu.matmul %reshape3A_93, %get3A_98, %dot_general3A_99 {dimension_numbers = #tpu.dot_dimension_numbers<[1], [0], [0], [1], [0, 0, 1, 1], [], []>, transpose_lhs_hint = false} : vector<6272x24xf32>, vector<24x128xf32>, vector<6272x128xf32> -> vector<6272x128xf32>
    %add3A_101 = arith.addf %add3A_86, %dot_general3A_100 : vector<6272x128xf32>
    %get3A_102 = arith.constant 0 : index
    %get3A_103 = arith.constant 2 : index
    %get3A_104 = arith.constant 1 : index
    %get3A_105 = arith.constant 0 : index
    %get3A_106 = vector.load %arg1[%get3A_102, %get3A_103, %get3A_104, %get3A_105] : memref<1x226x30x24xf32, #tpu.memory_space<vmem>>, vector<1x224x28x24xf32>
    %get3A_107 = vector.shape_cast %get3A_106 : vector<1x224x28x24xf32> to vector<224x28x24xf32>
    %reshape3A_108 = vector.shape_cast %get3A_107 : vector<224x28x24xf32> to vector<6272x24xf32>
    %get3A_109 = arith.constant 7 : index
    %get3A_110 = arith.constant 0 : index
    %get3A_111 = arith.constant 0 : index
    %get3A_112 = vector.load %arg2[%get3A_109, %get3A_110, %get3A_111] : memref<9x24x128xf32, #tpu.memory_space<vmem>>, vector<1x24x128xf32>
    %get3A_113 = vector.shape_cast %get3A_112 : vector<1x24x128xf32> to vector<24x128xf32>
    %dot_general3A_114 = arith.constant dense<0.000000e+00> : vector<6272x128xf32>
    %dot_general3A_115 = tpu.matmul %reshape3A_108, %get3A_113, %dot_general3A_114 {dimension_numbers = #tpu.dot_dimension_numbers<[1], [0], [0], [1], [0, 0, 1, 1], [], []>, transpose_lhs_hint = false} : vector<6272x24xf32>, vector<24x128xf32>, vector<6272x128xf32> -> vector<6272x128xf32>
    %add3A_116 = arith.addf %add3A_101, %dot_general3A_115 : vector<6272x128xf32>
    %get3A_117 = arith.constant 0 : index
    %get3A_118 = arith.constant 2 : index
    %get3A_119 = arith.constant 2 : index
    %get3A_120 = arith.constant 0 : index
    %get3A_121 = vector.load %arg1[%get3A_117, %get3A_118, %get3A_119, %get3A_120] : memref<1x226x30x24xf32, #tpu.memory_space<vmem>>, vector<1x224x28x24xf32>
    %get3A_122 = vector.shape_cast %get3A_121 : vector<1x224x28x24xf32> to vector<224x28x24xf32>
    %reshape3A_123 = vector.shape_cast %get3A_122 : vector<224x28x24xf32> to vector<6272x24xf32>
    %get3A_124 = arith.constant 8 : index
    %get3A_125 = arith.constant 0 : index
    %get3A_126 = arith.constant 0 : index
    %get3A_127 = vector.load %arg2[%get3A_124, %get3A_125, %get3A_126] : memref<9x24x128xf32, #tpu.memory_space<vmem>>, vector<1x24x128xf32>
    %get3A_128 = vector.shape_cast %get3A_127 : vector<1x24x128xf32> to vector<24x128xf32>
    %dot_general3A_129 = arith.constant dense<0.000000e+00> : vector<6272x128xf32>
    %dot_general3A_130 = tpu.matmul %reshape3A_123, %get3A_128, %dot_general3A_129 {dimension_numbers = #tpu.dot_dimension_numbers<[1], [0], [0], [1], [0, 0, 1, 1], [], []>, transpose_lhs_hint = false} : vector<6272x24xf32>, vector<24x128xf32>, vector<6272x128xf32> -> vector<6272x128xf32>
    %add3A_131 = arith.addf %add3A_116, %dot_general3A_130 : vector<6272x128xf32>
    %get3A_132 = arith.constant 0 : index
    %get3A_133 = arith.constant 0 : index
    %get3A_134 = vector.load %arg3[%get3A_132, %get3A_133] : memref<1x128xf32, #tpu.memory_space<vmem>>, vector<1x128xf32>
    %add3A_135 = vector.broadcast %get3A_134 : vector<1x128xf32> to vector<6272x128xf32>
    %add3A_136 = arith.addf %add3A_131, %add3A_135 : vector<6272x128xf32>
    %max3A = arith.constant 0.000000e+00 : f32
    %max3A_137 = vector.broadcast %max3A : f32 to vector<6272x128xf32>
    %max3A_138 = arith.maximumf %add3A_136, %max3A_137 : vector<6272x128xf32>
    %reshape3A_139 = vector.shape_cast %max3A_138 : vector<6272x128xf32> to vector<112x2x28x128xf32>
    %swap3A = arith.constant 0 : index
    %swap3A_140 = arith.constant 1 : index
    %swap3A_141 = arith.constant 0 : index
    %swap3A_142 = arith.constant 1 : index
    %swap3A_143 = arith.constant 0 : index
    %swap3A_144 = vector.load %arg4[%swap3A, %swap3A_140, %swap3A_141, %swap3A_142, %swap3A_143] : memref<1x114x2x30x128xf32, #tpu.memory_space<vmem>>, vector<1x112x2x28x128xf32>
    %swap3A_145 = vector.shape_cast %swap3A_144 : vector<1x112x2x28x128xf32> to vector<112x2x28x128xf32>
    %swap3A_146 = vector.shape_cast %reshape3A_139 : vector<112x2x28x128xf32> to vector<1x112x2x28x128xf32>
    tpu.vector_store %arg4[%swap3A, %swap3A_140, %swap3A_141, %swap3A_142, %swap3A_143], %swap3A_146 {strides = array<i32>} : memref<1x114x2x30x128xf32, #tpu.memory_space<vmem>>, vector<1x112x2x28x128xf32>,
    %broadcast_in_dim3A_147 = arith.constant 0.000000e+00 : f32
    %broadcast_in_dim3A_148 = vector.broadcast %broadcast_in_dim3A_147 : f32 to vector<2x30x128xf32>
    %swap3A_149 = arith.constant 0 : index
    %swap3A_150 = arith.constant 0 : index
    %swap3A_151 = arith.constant 0 : index
    %swap3A_152 = arith.constant 0 : index
    %swap3A_153 = arith.constant 0 : index
    %swap3A_154 = vector.load %arg4[%swap3A_149, %swap3A_150, %swap3A_151, %swap3A_152, %swap3A_153] : memref<1x114x2x30x128xf32, #tpu.memory_space<vmem>>, vector<1x1x2x30x128xf32>
    %swap3A_155 = vector.shape_cast %swap3A_154 : vector<1x1x2x30x128xf32> to vector<2x30x128xf32>
    %swap3A_156 = vector.shape_cast %broadcast_in_dim3A_148 : vector<2x30x128xf32> to vector<1x1x2x30x128xf32>
    tpu.vector_store %arg4[%swap3A_149, %swap3A_150, %swap3A_151, %swap3A_152, %swap3A_153], %swap3A_156 {strides = array<i32>} : memref<1x114x2x30x128xf32, #tpu.memory_space<vmem>>, vector<1x1x2x30x128xf32>,
    %broadcast_in_dim3A_157 = arith.constant 0.000000e+00 : f32
    %broadcast_in_dim3A_158 = vector.broadcast %broadcast_in_dim3A_157 : f32 to vector<2x30x128xf32>
    %swap3A_159 = arith.constant 0 : index
    %swap3A_160 = arith.constant 113 : index
    %swap3A_161 = arith.constant 0 : index
    %swap3A_162 = arith.constant 0 : index
    %swap3A_163 = arith.constant 0 : index
    %swap3A_164 = vector.load %arg4[%swap3A_159, %swap3A_160, %swap3A_161, %swap3A_162, %swap3A_163] : memref<1x114x2x30x128xf32, #tpu.memory_space<vmem>>, vector<1x1x2x30x128xf32>
    %swap3A_165 = vector.shape_cast %swap3A_164 : vector<1x1x2x30x128xf32> to vector<2x30x128xf32>
    %swap3A_166 = vector.shape_cast %broadcast_in_dim3A_158 : vector<2x30x128xf32> to vector<1x1x2x30x128xf32>
    tpu.vector_store %arg4[%swap3A_159, %swap3A_160, %swap3A_161, %swap3A_162, %swap3A_163], %swap3A_166 {strides = array<i32>} : memref<1x114x2x30x128xf32, #tpu.memory_space<vmem>>, vector<1x1x2x30x128xf32>,
    %broadcast_in_dim3A_167 = arith.constant 0.000000e+00 : f32
    %broadcast_in_dim3A_168 = vector.broadcast %broadcast_in_dim3A_167 : f32 to vector<114x2x128xf32>
    %swap3A_169 = arith.constant 0 : index
    %swap3A_170 = arith.constant 0 : index
    %swap3A_171 = arith.constant 0 : index
    %swap3A_172 = arith.constant 0 : index
    %swap3A_173 = arith.constant 0 : index
    %swap3A_174 = vector.load %arg4[%swap3A_169, %swap3A_170, %swap3A_171, %swap3A_172, %swap3A_173] : memref<1x114x2x30x128xf32, #tpu.memory_space<vmem>>, vector<1x114x2x1x128xf32>
    %swap3A_175 = vector.shape_cast %swap3A_174 : vector<1x114x2x1x128xf32> to vector<114x2x128xf32>
    %swap3A_176 = vector.shape_cast %broadcast_in_dim3A_168 : vector<114x2x128xf32> to vector<1x114x2x1x128xf32>
    tpu.vector_store %arg4[%swap3A_169, %swap3A_170, %swap3A_171, %swap3A_172, %swap3A_173], %swap3A_176 {strides = array<i32>} : memref<1x114x2x30x128xf32, #tpu.memory_space<vmem>>, vector<1x114x2x1x128xf32>,
    %broadcast_in_dim3A_177 = arith.constant 0.000000e+00 : f32
    %broadcast_in_dim3A_178 = vector.broadcast %broadcast_in_dim3A_177 : f32 to vector<114x2x128xf32>
    %swap3A_179 = arith.constant 0 : index
    %swap3A_180 = arith.constant 0 : index
    %swap3A_181 = arith.constant 0 : index
    %swap3A_182 = arith.constant 29 : index
    %swap3A_183 = arith.constant 0 : index
    %swap3A_184 = vector.load %arg4[%swap3A_179, %swap3A_180, %swap3A_181, %swap3A_182, %swap3A_183] : memref<1x114x2x30x128xf32, #tpu.memory_space<vmem>>, vector<1x114x2x1x128xf32>
    %swap3A_185 = vector.shape_cast %swap3A_184 : vector<1x114x2x1x128xf32> to vector<114x2x128xf32>
    %swap3A_186 = vector.shape_cast %broadcast_in_dim3A_178 : vector<114x2x128xf32> to vector<1x114x2x1x128xf32>
    tpu.vector_store %arg4[%swap3A_179, %swap3A_180, %swap3A_181, %swap3A_182, %swap3A_183], %swap3A_186 {strides = array<i32>} : memref<1x114x2x30x128xf32, #tpu.memory_space<vmem>>, vector<1x114x2x1x128xf32>,
    return
  }
  func.func @transform_0(%arg0: i32) -> (i32, i32, i32, i32) {
    %c0_i32 = arith.constant 0 : i32
    %c0_i32_0 = arith.constant 0 : i32
    %c0_i32_1 = arith.constant 0 : i32
    %c0_i32_2 = arith.constant 0 : i32
    return %arg0, %c0_i32, %c0_i32_0, %c0_i32_1 : i32, i32, i32, i32
  }
  func.func @transform_1(%arg0: i32) -> (i32, i32, i32) {
    %c0_i32 = arith.constant 0 : i32
    %c0_i32_0 = arith.constant 0 : i32
    %c0_i32_1 = arith.constant 0 : i32
    %c0_i32_2 = arith.constant 0 : i32
    return %c0_i32, %c0_i32_0, %c0_i32_1 : i32, i32, i32
  }
  func.func @transform_2(%arg0: i32) -> (i32, i32) {
    %c0_i32 = arith.constant 0 : i32
    %c0_i32_0 = arith.constant 0 : i32
    %c0_i32_1 = arith.constant 0 : i32
    return %c0_i32, %c0_i32_0 : i32, i32
  }
  func.func @transform_3(%arg0: i32) -> (i32, i32, i32, i32, i32) {
    %c0_i32 = arith.constant 0 : i32
    %c0_i32_0 = arith.constant 0 : i32
    %c0_i32_1 = arith.constant 0 : i32
    %c0_i32_2 = arith.constant 0 : i32
    %c0_i32_3 = arith.constant 0 : i32
    return %arg0, %c0_i32, %c0_i32_0, %c0_i32_1, %c0_i32_2 : i32, i32, i32, i32, i32
  }
}

module attributes {stable_mosaic.version = 14 : i64} {
  func.func @body(%arg0: i32, %arg1: memref<1x58x2x30x128xf32, #tpu.memory_space<vmem>>, %arg2: memref<6x128x128xf32, #tpu.memory_space<vmem>>, %arg3: memref<1x128xf32, #tpu.memory_space<vmem>>, %arg4: memref<1x30x2x30x128xf32, #tpu.memory_space<vmem>>) attributes {dimension_semantics = [#tpu.dimension_semantics<arbitrary>], iteration_bounds = array<i64: 8>, scalar_prefetch = 0 : i64, scratch_operands = 0 : i64, tpu.core_type = #tpu.core_type<tc>, window_params = [{transform_indices = @transform_0, window_bounds = array<i64: 1, 58, 2, 30, 128>}, {pipeline_mode = #tpu.pipeline_mode<synchronous>, transform_indices = @transform_1, window_bounds = array<i64: 6, 128, 128>}, {pipeline_mode = #tpu.pipeline_mode<synchronous>, transform_indices = @transform_2, window_bounds = array<i64: 1, 128>}, {transform_indices = @transform_3, window_bounds = array<i64: 1, 30, 2, 30, 128>}]} {
    %broadcast_in_dim3A = arith.constant 0.000000e+00 : f32
    %broadcast_in_dim3A_0 = vector.broadcast %broadcast_in_dim3A : f32 to vector<1568x128xf32>
    %get3A = arith.constant 0 : index
    %get3A_1 = arith.constant 0 : index
    %get3A_2 = arith.constant 1 : index
    %get3A_3 = arith.constant 0 : index
    %get3A_4 = arith.constant 0 : index
    %get3A_5 = vector.load %arg1[%get3A, %get3A_1, %get3A_2, %get3A_3, %get3A_4] : memref<1x58x2x30x128xf32, #tpu.memory_space<vmem>>, vector<1x56x1x28x128xf32>
    %get3A_6 = vector.shape_cast %get3A_5 : vector<1x56x1x28x128xf32> to vector<56x28x128xf32>
    %reshape3A = vector.shape_cast %get3A_6 : vector<56x28x128xf32> to vector<1568x128xf32>
    %get3A_7 = arith.constant 0 : index
    %get3A_8 = arith.constant 0 : index
    %get3A_9 = arith.constant 0 : index
    %get3A_10 = vector.load %arg2[%get3A_7, %get3A_8, %get3A_9] : memref<6x128x128xf32, #tpu.memory_space<vmem>>, vector<1x128x128xf32>
    %get3A_11 = vector.shape_cast %get3A_10 : vector<1x128x128xf32> to vector<128x128xf32>
    %dot_general3A = arith.constant dense<0.000000e+00> : vector<1568x128xf32>
    %dot_general3A_12 = tpu.matmul %reshape3A, %get3A_11, %dot_general3A {dimension_numbers = #tpu.dot_dimension_numbers<[1], [0], [0], [1], [0, 0, 1, 1], [], []>, transpose_lhs_hint = false} : vector<1568x128xf32>, vector<128x128xf32>, vector<1568x128xf32> -> vector<1568x128xf32>
    %add3A = arith.addf %broadcast_in_dim3A_0, %dot_general3A_12 : vector<1568x128xf32>
    %get3A_13 = arith.constant 0 : index
    %get3A_14 = arith.constant 0 : index
    %get3A_15 = arith.constant 1 : index
    %get3A_16 = arith.constant 1 : index
    %get3A_17 = arith.constant 0 : index
    %get3A_18 = vector.load %arg1[%get3A_13, %get3A_14, %get3A_15, %get3A_16, %get3A_17] : memref<1x58x2x30x128xf32, #tpu.memory_space<vmem>>, vector<1x56x1x28x128xf32>
    %get3A_19 = vector.shape_cast %get3A_18 : vector<1x56x1x28x128xf32> to vector<56x28x128xf32>
    %reshape3A_20 = vector.shape_cast %get3A_19 : vector<56x28x128xf32> to vector<1568x128xf32>
    %get3A_21 = arith.constant 1 : index
    %get3A_22 = arith.constant 0 : index
    %get3A_23 = arith.constant 0 : index
    %get3A_24 = vector.load %arg2[%get3A_21, %get3A_22, %get3A_23] : memref<6x128x128xf32, #tpu.memory_space<vmem>>, vector<1x128x128xf32>
    %get3A_25 = vector.shape_cast %get3A_24 : vector<1x128x128xf32> to vector<128x128xf32>
    %dot_general3A_26 = arith.constant dense<0.000000e+00> : vector<1568x128xf32>
    %dot_general3A_27 = tpu.matmul %reshape3A_20, %get3A_25, %dot_general3A_26 {dimension_numbers = #tpu.dot_dimension_numbers<[1], [0], [0], [1], [0, 0, 1, 1], [], []>, transpose_lhs_hint = false} : vector<1568x128xf32>, vector<128x128xf32>, vector<1568x128xf32> -> vector<1568x128xf32>
    %add3A_28 = arith.addf %add3A, %dot_general3A_27 : vector<1568x128xf32>
    %get3A_29 = arith.constant 0 : index
    %get3A_30 = arith.constant 1 : index
    %get3A_31 = arith.constant 0 : index
    %get3A_32 = arith.constant 0 : index
    %get3A_33 = arith.constant 0 : index
    %get3A_34 = vector.load %arg1[%get3A_29, %get3A_30, %get3A_31, %get3A_32, %get3A_33] : memref<1x58x2x30x128xf32, #tpu.memory_space<vmem>>, vector<1x56x1x28x128xf32>
    %get3A_35 = vector.shape_cast %get3A_34 : vector<1x56x1x28x128xf32> to vector<56x28x128xf32>
    %reshape3A_36 = vector.shape_cast %get3A_35 : vector<56x28x128xf32> to vector<1568x128xf32>
    %get3A_37 = arith.constant 2 : index
    %get3A_38 = arith.constant 0 : index
    %get3A_39 = arith.constant 0 : index
    %get3A_40 = vector.load %arg2[%get3A_37, %get3A_38, %get3A_39] : memref<6x128x128xf32, #tpu.memory_space<vmem>>, vector<1x128x128xf32>
    %get3A_41 = vector.shape_cast %get3A_40 : vector<1x128x128xf32> to vector<128x128xf32>
    %dot_general3A_42 = arith.constant dense<0.000000e+00> : vector<1568x128xf32>
    %dot_general3A_43 = tpu.matmul %reshape3A_36, %get3A_41, %dot_general3A_42 {dimension_numbers = #tpu.dot_dimension_numbers<[1], [0], [0], [1], [0, 0, 1, 1], [], []>, transpose_lhs_hint = false} : vector<1568x128xf32>, vector<128x128xf32>, vector<1568x128xf32> -> vector<1568x128xf32>
    %add3A_44 = arith.addf %add3A_28, %dot_general3A_43 : vector<1568x128xf32>
    %get3A_45 = arith.constant 0 : index
    %get3A_46 = arith.constant 1 : index
    %get3A_47 = arith.constant 0 : index
    %get3A_48 = arith.constant 1 : index
    %get3A_49 = arith.constant 0 : index
    %get3A_50 = vector.load %arg1[%get3A_45, %get3A_46, %get3A_47, %get3A_48, %get3A_49] : memref<1x58x2x30x128xf32, #tpu.memory_space<vmem>>, vector<1x56x1x28x128xf32>
    %get3A_51 = vector.shape_cast %get3A_50 : vector<1x56x1x28x128xf32> to vector<56x28x128xf32>
    %reshape3A_52 = vector.shape_cast %get3A_51 : vector<56x28x128xf32> to vector<1568x128xf32>
    %get3A_53 = arith.constant 3 : index
    %get3A_54 = arith.constant 0 : index
    %get3A_55 = arith.constant 0 : index
    %get3A_56 = vector.load %arg2[%get3A_53, %get3A_54, %get3A_55] : memref<6x128x128xf32, #tpu.memory_space<vmem>>, vector<1x128x128xf32>
    %get3A_57 = vector.shape_cast %get3A_56 : vector<1x128x128xf32> to vector<128x128xf32>
    %dot_general3A_58 = arith.constant dense<0.000000e+00> : vector<1568x128xf32>
    %dot_general3A_59 = tpu.matmul %reshape3A_52, %get3A_57, %dot_general3A_58 {dimension_numbers = #tpu.dot_dimension_numbers<[1], [0], [0], [1], [0, 0, 1, 1], [], []>, transpose_lhs_hint = false} : vector<1568x128xf32>, vector<128x128xf32>, vector<1568x128xf32> -> vector<1568x128xf32>
    %add3A_60 = arith.addf %add3A_44, %dot_general3A_59 : vector<1568x128xf32>
    %get3A_61 = arith.constant 0 : index
    %get3A_62 = arith.constant 1 : index
    %get3A_63 = arith.constant 1 : index
    %get3A_64 = arith.constant 0 : index
    %get3A_65 = arith.constant 0 : index
    %get3A_66 = vector.load %arg1[%get3A_61, %get3A_62, %get3A_63, %get3A_64, %get3A_65] : memref<1x58x2x30x128xf32, #tpu.memory_space<vmem>>, vector<1x56x1x28x128xf32>
    %get3A_67 = vector.shape_cast %get3A_66 : vector<1x56x1x28x128xf32> to vector<56x28x128xf32>
    %reshape3A_68 = vector.shape_cast %get3A_67 : vector<56x28x128xf32> to vector<1568x128xf32>
    %get3A_69 = arith.constant 4 : index
    %get3A_70 = arith.constant 0 : index
    %get3A_71 = arith.constant 0 : index
    %get3A_72 = vector.load %arg2[%get3A_69, %get3A_70, %get3A_71] : memref<6x128x128xf32, #tpu.memory_space<vmem>>, vector<1x128x128xf32>
    %get3A_73 = vector.shape_cast %get3A_72 : vector<1x128x128xf32> to vector<128x128xf32>
    %dot_general3A_74 = arith.constant dense<0.000000e+00> : vector<1568x128xf32>
    %dot_general3A_75 = tpu.matmul %reshape3A_68, %get3A_73, %dot_general3A_74 {dimension_numbers = #tpu.dot_dimension_numbers<[1], [0], [0], [1], [0, 0, 1, 1], [], []>, transpose_lhs_hint = false} : vector<1568x128xf32>, vector<128x128xf32>, vector<1568x128xf32> -> vector<1568x128xf32>
    %add3A_76 = arith.addf %add3A_60, %dot_general3A_75 : vector<1568x128xf32>
    %get3A_77 = arith.constant 0 : index
    %get3A_78 = arith.constant 1 : index
    %get3A_79 = arith.constant 1 : index
    %get3A_80 = arith.constant 1 : index
    %get3A_81 = arith.constant 0 : index
    %get3A_82 = vector.load %arg1[%get3A_77, %get3A_78, %get3A_79, %get3A_80, %get3A_81] : memref<1x58x2x30x128xf32, #tpu.memory_space<vmem>>, vector<1x56x1x28x128xf32>
    %get3A_83 = vector.shape_cast %get3A_82 : vector<1x56x1x28x128xf32> to vector<56x28x128xf32>
    %reshape3A_84 = vector.shape_cast %get3A_83 : vector<56x28x128xf32> to vector<1568x128xf32>
    %get3A_85 = arith.constant 5 : index
    %get3A_86 = arith.constant 0 : index
    %get3A_87 = arith.constant 0 : index
    %get3A_88 = vector.load %arg2[%get3A_85, %get3A_86, %get3A_87] : memref<6x128x128xf32, #tpu.memory_space<vmem>>, vector<1x128x128xf32>
    %get3A_89 = vector.shape_cast %get3A_88 : vector<1x128x128xf32> to vector<128x128xf32>
    %dot_general3A_90 = arith.constant dense<0.000000e+00> : vector<1568x128xf32>
    %dot_general3A_91 = tpu.matmul %reshape3A_84, %get3A_89, %dot_general3A_90 {dimension_numbers = #tpu.dot_dimension_numbers<[1], [0], [0], [1], [0, 0, 1, 1], [], []>, transpose_lhs_hint = false} : vector<1568x128xf32>, vector<128x128xf32>, vector<1568x128xf32> -> vector<1568x128xf32>
    %add3A_92 = arith.addf %add3A_76, %dot_general3A_91 : vector<1568x128xf32>
    %get3A_93 = arith.constant 0 : index
    %get3A_94 = arith.constant 0 : index
    %get3A_95 = vector.load %arg3[%get3A_93, %get3A_94] : memref<1x128xf32, #tpu.memory_space<vmem>>, vector<1x128xf32>
    %add3A_96 = vector.broadcast %get3A_95 : vector<1x128xf32> to vector<1568x128xf32>
    %add3A_97 = arith.addf %add3A_92, %add3A_96 : vector<1568x128xf32>
    %max3A = arith.constant 0.000000e+00 : f32
    %max3A_98 = vector.broadcast %max3A : f32 to vector<1568x128xf32>
    %max3A_99 = arith.maximumf %add3A_97, %max3A_98 : vector<1568x128xf32>
    %reshape3A_100 = vector.shape_cast %max3A_99 : vector<1568x128xf32> to vector<28x2x28x128xf32>
    %swap3A = arith.constant 0 : index
    %swap3A_101 = arith.constant 1 : index
    %swap3A_102 = arith.constant 0 : index
    %swap3A_103 = arith.constant 1 : index
    %swap3A_104 = arith.constant 0 : index
    %swap3A_105 = vector.load %arg4[%swap3A, %swap3A_101, %swap3A_102, %swap3A_103, %swap3A_104] : memref<1x30x2x30x128xf32, #tpu.memory_space<vmem>>, vector<1x28x2x28x128xf32>
    %swap3A_106 = vector.shape_cast %swap3A_105 : vector<1x28x2x28x128xf32> to vector<28x2x28x128xf32>
    %swap3A_107 = vector.shape_cast %reshape3A_100 : vector<28x2x28x128xf32> to vector<1x28x2x28x128xf32>
    tpu.vector_store %arg4[%swap3A, %swap3A_101, %swap3A_102, %swap3A_103, %swap3A_104], %swap3A_107 {strides = array<i32>} : memref<1x30x2x30x128xf32, #tpu.memory_space<vmem>>, vector<1x28x2x28x128xf32>,
    %broadcast_in_dim3A_108 = arith.constant 0.000000e+00 : f32
    %broadcast_in_dim3A_109 = vector.broadcast %broadcast_in_dim3A_108 : f32 to vector<2x30x128xf32>
    %swap3A_110 = arith.constant 0 : index
    %swap3A_111 = arith.constant 0 : index
    %swap3A_112 = arith.constant 0 : index
    %swap3A_113 = arith.constant 0 : index
    %swap3A_114 = arith.constant 0 : index
    %swap3A_115 = vector.load %arg4[%swap3A_110, %swap3A_111, %swap3A_112, %swap3A_113, %swap3A_114] : memref<1x30x2x30x128xf32, #tpu.memory_space<vmem>>, vector<1x1x2x30x128xf32>
    %swap3A_116 = vector.shape_cast %swap3A_115 : vector<1x1x2x30x128xf32> to vector<2x30x128xf32>
    %swap3A_117 = vector.shape_cast %broadcast_in_dim3A_109 : vector<2x30x128xf32> to vector<1x1x2x30x128xf32>
    tpu.vector_store %arg4[%swap3A_110, %swap3A_111, %swap3A_112, %swap3A_113, %swap3A_114], %swap3A_117 {strides = array<i32>} : memref<1x30x2x30x128xf32, #tpu.memory_space<vmem>>, vector<1x1x2x30x128xf32>,
    %broadcast_in_dim3A_118 = arith.constant 0.000000e+00 : f32
    %broadcast_in_dim3A_119 = vector.broadcast %broadcast_in_dim3A_118 : f32 to vector<2x30x128xf32>
    %swap3A_120 = arith.constant 0 : index
    %swap3A_121 = arith.constant 29 : index
    %swap3A_122 = arith.constant 0 : index
    %swap3A_123 = arith.constant 0 : index
    %swap3A_124 = arith.constant 0 : index
    %swap3A_125 = vector.load %arg4[%swap3A_120, %swap3A_121, %swap3A_122, %swap3A_123, %swap3A_124] : memref<1x30x2x30x128xf32, #tpu.memory_space<vmem>>, vector<1x1x2x30x128xf32>
    %swap3A_126 = vector.shape_cast %swap3A_125 : vector<1x1x2x30x128xf32> to vector<2x30x128xf32>
    %swap3A_127 = vector.shape_cast %broadcast_in_dim3A_119 : vector<2x30x128xf32> to vector<1x1x2x30x128xf32>
    tpu.vector_store %arg4[%swap3A_120, %swap3A_121, %swap3A_122, %swap3A_123, %swap3A_124], %swap3A_127 {strides = array<i32>} : memref<1x30x2x30x128xf32, #tpu.memory_space<vmem>>, vector<1x1x2x30x128xf32>,
    %broadcast_in_dim3A_128 = arith.constant 0.000000e+00 : f32
    %broadcast_in_dim3A_129 = vector.broadcast %broadcast_in_dim3A_128 : f32 to vector<30x2x128xf32>
    %swap3A_130 = arith.constant 0 : index
    %swap3A_131 = arith.constant 0 : index
    %swap3A_132 = arith.constant 0 : index
    %swap3A_133 = arith.constant 0 : index
    %swap3A_134 = arith.constant 0 : index
    %swap3A_135 = vector.load %arg4[%swap3A_130, %swap3A_131, %swap3A_132, %swap3A_133, %swap3A_134] : memref<1x30x2x30x128xf32, #tpu.memory_space<vmem>>, vector<1x30x2x1x128xf32>
    %swap3A_136 = vector.shape_cast %swap3A_135 : vector<1x30x2x1x128xf32> to vector<30x2x128xf32>
    %swap3A_137 = vector.shape_cast %broadcast_in_dim3A_129 : vector<30x2x128xf32> to vector<1x30x2x1x128xf32>
    tpu.vector_store %arg4[%swap3A_130, %swap3A_131, %swap3A_132, %swap3A_133, %swap3A_134], %swap3A_137 {strides = array<i32>} : memref<1x30x2x30x128xf32, #tpu.memory_space<vmem>>, vector<1x30x2x1x128xf32>,
    %broadcast_in_dim3A_138 = arith.constant 0.000000e+00 : f32
    %broadcast_in_dim3A_139 = vector.broadcast %broadcast_in_dim3A_138 : f32 to vector<30x2x128xf32>
    %swap3A_140 = arith.constant 0 : index
    %swap3A_141 = arith.constant 0 : index
    %swap3A_142 = arith.constant 0 : index
    %swap3A_143 = arith.constant 29 : index
    %swap3A_144 = arith.constant 0 : index
    %swap3A_145 = vector.load %arg4[%swap3A_140, %swap3A_141, %swap3A_142, %swap3A_143, %swap3A_144] : memref<1x30x2x30x128xf32, #tpu.memory_space<vmem>>, vector<1x30x2x1x128xf32>
    %swap3A_146 = vector.shape_cast %swap3A_145 : vector<1x30x2x1x128xf32> to vector<30x2x128xf32>
    %swap3A_147 = vector.shape_cast %broadcast_in_dim3A_139 : vector<30x2x128xf32> to vector<1x30x2x1x128xf32>
    tpu.vector_store %arg4[%swap3A_140, %swap3A_141, %swap3A_142, %swap3A_143, %swap3A_144], %swap3A_147 {strides = array<i32>} : memref<1x30x2x30x128xf32, #tpu.memory_space<vmem>>, vector<1x30x2x1x128xf32>,
    return
  }
  func.func @transform_0(%arg0: i32) -> (i32, i32, i32, i32, i32) {
    %c0_i32 = arith.constant 0 : i32
    %c0_i32_0 = arith.constant 0 : i32
    %c0_i32_1 = arith.constant 0 : i32
    %c0_i32_2 = arith.constant 0 : i32
    %c0_i32_3 = arith.constant 0 : i32
    return %arg0, %c0_i32, %c0_i32_0, %c0_i32_1, %c0_i32_2 : i32, i32, i32, i32, i32
  }
  func.func @transform_1(%arg0: i32) -> (i32, i32, i32) {
    %c0_i32 = arith.constant 0 : i32
    %c0_i32_0 = arith.constant 0 : i32
    %c0_i32_1 = arith.constant 0 : i32
    %c0_i32_2 = arith.constant 0 : i32
    return %c0_i32, %c0_i32_0, %c0_i32_1 : i32, i32, i32
  }
  func.func @transform_2(%arg0: i32) -> (i32, i32) {
    %c0_i32 = arith.constant 0 : i32
    %c0_i32_0 = arith.constant 0 : i32
    %c0_i32_1 = arith.constant 0 : i32
    return %c0_i32, %c0_i32_0 : i32, i32
  }
  func.func @transform_3(%arg0: i32) -> (i32, i32, i32, i32, i32) {
    %c0_i32 = arith.constant 0 : i32
    %c0_i32_0 = arith.constant 0 : i32
    %c0_i32_1 = arith.constant 0 : i32
    %c0_i32_2 = arith.constant 0 : i32
    %c0_i32_3 = arith.constant 0 : i32
    return %arg0, %c0_i32, %c0_i32_0, %c0_i32_1, %c0_i32_2 : i32, i32, i32, i32, i32
  }
}

module attributes {stable_mosaic.version = 14 : i64} {
  func.func @body(%arg0: i32, %arg1: memref<1x30x2x30x128xf32, #tpu.memory_space<vmem>>, %arg2: memref<6x128x128xf32, #tpu.memory_space<vmem>>, %arg3: memref<1x128xf32, #tpu.memory_space<vmem>>, %arg4: memref<1x28x28x128xf32, #tpu.memory_space<vmem>>) attributes {dimension_semantics = [#tpu.dimension_semantics<arbitrary>], iteration_bounds = array<i64: 8>, scalar_prefetch = 0 : i64, scratch_operands = 0 : i64, tpu.core_type = #tpu.core_type<tc>, window_params = [{transform_indices = @transform_0, window_bounds = array<i64: 1, 30, 2, 30, 128>}, {pipeline_mode = #tpu.pipeline_mode<synchronous>, transform_indices = @transform_1, window_bounds = array<i64: 6, 128, 128>}, {pipeline_mode = #tpu.pipeline_mode<synchronous>, transform_indices = @transform_2, window_bounds = array<i64: 1, 128>}, {transform_indices = @transform_3, window_bounds = array<i64: 1, 28, 28, 128>}]} {
    %broadcast_in_dim3A = arith.constant 0.000000e+00 : f32
    %broadcast_in_dim3A_0 = vector.broadcast %broadcast_in_dim3A : f32 to vector<784x128xf32>
    %get3A = arith.constant 0 : index
    %get3A_1 = arith.constant 0 : index
    %get3A_2 = arith.constant 1 : index
    %get3A_3 = arith.constant 0 : index
    %get3A_4 = arith.constant 0 : index
    %get3A_5 = vector.load %arg1[%get3A, %get3A_1, %get3A_2, %get3A_3, %get3A_4] : memref<1x30x2x30x128xf32, #tpu.memory_space<vmem>>, vector<1x28x1x28x128xf32>
    %get3A_6 = vector.shape_cast %get3A_5 : vector<1x28x1x28x128xf32> to vector<28x28x128xf32>
    %reshape3A = vector.shape_cast %get3A_6 : vector<28x28x128xf32> to vector<784x128xf32>
    %get3A_7 = arith.constant 0 : index
    %get3A_8 = arith.constant 0 : index
    %get3A_9 = arith.constant 0 : index
    %get3A_10 = vector.load %arg2[%get3A_7, %get3A_8, %get3A_9] : memref<6x128x128xf32, #tpu.memory_space<vmem>>, vector<1x128x128xf32>
    %get3A_11 = vector.shape_cast %get3A_10 : vector<1x128x128xf32> to vector<128x128xf32>
    %dot_general3A = arith.constant dense<0.000000e+00> : vector<784x128xf32>
    %dot_general3A_12 = tpu.matmul %reshape3A, %get3A_11, %dot_general3A {dimension_numbers = #tpu.dot_dimension_numbers<[1], [0], [0], [1], [0, 0, 1, 1], [], []>, transpose_lhs_hint = false} : vector<784x128xf32>, vector<128x128xf32>, vector<784x128xf32> -> vector<784x128xf32>
    %add3A = arith.addf %broadcast_in_dim3A_0, %dot_general3A_12 : vector<784x128xf32>
    %get3A_13 = arith.constant 0 : index
    %get3A_14 = arith.constant 0 : index
    %get3A_15 = arith.constant 1 : index
    %get3A_16 = arith.constant 1 : index
    %get3A_17 = arith.constant 0 : index
    %get3A_18 = vector.load %arg1[%get3A_13, %get3A_14, %get3A_15, %get3A_16, %get3A_17] : memref<1x30x2x30x128xf32, #tpu.memory_space<vmem>>, vector<1x28x1x28x128xf32>
    %get3A_19 = vector.shape_cast %get3A_18 : vector<1x28x1x28x128xf32> to vector<28x28x128xf32>
    %reshape3A_20 = vector.shape_cast %get3A_19 : vector<28x28x128xf32> to vector<784x128xf32>
    %get3A_21 = arith.constant 1 : index
    %get3A_22 = arith.constant 0 : index
    %get3A_23 = arith.constant 0 : index
    %get3A_24 = vector.load %arg2[%get3A_21, %get3A_22, %get3A_23] : memref<6x128x128xf32, #tpu.memory_space<vmem>>, vector<1x128x128xf32>
    %get3A_25 = vector.shape_cast %get3A_24 : vector<1x128x128xf32> to vector<128x128xf32>
    %dot_general3A_26 = arith.constant dense<0.000000e+00> : vector<784x128xf32>
    %dot_general3A_27 = tpu.matmul %reshape3A_20, %get3A_25, %dot_general3A_26 {dimension_numbers = #tpu.dot_dimension_numbers<[1], [0], [0], [1], [0, 0, 1, 1], [], []>, transpose_lhs_hint = false} : vector<784x128xf32>, vector<128x128xf32>, vector<784x128xf32> -> vector<784x128xf32>
    %add3A_28 = arith.addf %add3A, %dot_general3A_27 : vector<784x128xf32>
    %get3A_29 = arith.constant 0 : index
    %get3A_30 = arith.constant 1 : index
    %get3A_31 = arith.constant 0 : index
    %get3A_32 = arith.constant 0 : index
    %get3A_33 = arith.constant 0 : index
    %get3A_34 = vector.load %arg1[%get3A_29, %get3A_30, %get3A_31, %get3A_32, %get3A_33] : memref<1x30x2x30x128xf32, #tpu.memory_space<vmem>>, vector<1x28x1x28x128xf32>
    %get3A_35 = vector.shape_cast %get3A_34 : vector<1x28x1x28x128xf32> to vector<28x28x128xf32>
    %reshape3A_36 = vector.shape_cast %get3A_35 : vector<28x28x128xf32> to vector<784x128xf32>
    %get3A_37 = arith.constant 2 : index
    %get3A_38 = arith.constant 0 : index
    %get3A_39 = arith.constant 0 : index
    %get3A_40 = vector.load %arg2[%get3A_37, %get3A_38, %get3A_39] : memref<6x128x128xf32, #tpu.memory_space<vmem>>, vector<1x128x128xf32>
    %get3A_41 = vector.shape_cast %get3A_40 : vector<1x128x128xf32> to vector<128x128xf32>
    %dot_general3A_42 = arith.constant dense<0.000000e+00> : vector<784x128xf32>
    %dot_general3A_43 = tpu.matmul %reshape3A_36, %get3A_41, %dot_general3A_42 {dimension_numbers = #tpu.dot_dimension_numbers<[1], [0], [0], [1], [0, 0, 1, 1], [], []>, transpose_lhs_hint = false} : vector<784x128xf32>, vector<128x128xf32>, vector<784x128xf32> -> vector<784x128xf32>
    %add3A_44 = arith.addf %add3A_28, %dot_general3A_43 : vector<784x128xf32>
    %get3A_45 = arith.constant 0 : index
    %get3A_46 = arith.constant 1 : index
    %get3A_47 = arith.constant 0 : index
    %get3A_48 = arith.constant 1 : index
    %get3A_49 = arith.constant 0 : index
    %get3A_50 = vector.load %arg1[%get3A_45, %get3A_46, %get3A_47, %get3A_48, %get3A_49] : memref<1x30x2x30x128xf32, #tpu.memory_space<vmem>>, vector<1x28x1x28x128xf32>
    %get3A_51 = vector.shape_cast %get3A_50 : vector<1x28x1x28x128xf32> to vector<28x28x128xf32>
    %reshape3A_52 = vector.shape_cast %get3A_51 : vector<28x28x128xf32> to vector<784x128xf32>
    %get3A_53 = arith.constant 3 : index
    %get3A_54 = arith.constant 0 : index
    %get3A_55 = arith.constant 0 : index
    %get3A_56 = vector.load %arg2[%get3A_53, %get3A_54, %get3A_55] : memref<6x128x128xf32, #tpu.memory_space<vmem>>, vector<1x128x128xf32>
    %get3A_57 = vector.shape_cast %get3A_56 : vector<1x128x128xf32> to vector<128x128xf32>
    %dot_general3A_58 = arith.constant dense<0.000000e+00> : vector<784x128xf32>
    %dot_general3A_59 = tpu.matmul %reshape3A_52, %get3A_57, %dot_general3A_58 {dimension_numbers = #tpu.dot_dimension_numbers<[1], [0], [0], [1], [0, 0, 1, 1], [], []>, transpose_lhs_hint = false} : vector<784x128xf32>, vector<128x128xf32>, vector<784x128xf32> -> vector<784x128xf32>
    %add3A_60 = arith.addf %add3A_44, %dot_general3A_59 : vector<784x128xf32>
    %get3A_61 = arith.constant 0 : index
    %get3A_62 = arith.constant 1 : index
    %get3A_63 = arith.constant 1 : index
    %get3A_64 = arith.constant 0 : index
    %get3A_65 = arith.constant 0 : index
    %get3A_66 = vector.load %arg1[%get3A_61, %get3A_62, %get3A_63, %get3A_64, %get3A_65] : memref<1x30x2x30x128xf32, #tpu.memory_space<vmem>>, vector<1x28x1x28x128xf32>
    %get3A_67 = vector.shape_cast %get3A_66 : vector<1x28x1x28x128xf32> to vector<28x28x128xf32>
    %reshape3A_68 = vector.shape_cast %get3A_67 : vector<28x28x128xf32> to vector<784x128xf32>
    %get3A_69 = arith.constant 4 : index
    %get3A_70 = arith.constant 0 : index
    %get3A_71 = arith.constant 0 : index
    %get3A_72 = vector.load %arg2[%get3A_69, %get3A_70, %get3A_71] : memref<6x128x128xf32, #tpu.memory_space<vmem>>, vector<1x128x128xf32>
    %get3A_73 = vector.shape_cast %get3A_72 : vector<1x128x128xf32> to vector<128x128xf32>
    %dot_general3A_74 = arith.constant dense<0.000000e+00> : vector<784x128xf32>
    %dot_general3A_75 = tpu.matmul %reshape3A_68, %get3A_73, %dot_general3A_74 {dimension_numbers = #tpu.dot_dimension_numbers<[1], [0], [0], [1], [0, 0, 1, 1], [], []>, transpose_lhs_hint = false} : vector<784x128xf32>, vector<128x128xf32>, vector<784x128xf32> -> vector<784x128xf32>
    %add3A_76 = arith.addf %add3A_60, %dot_general3A_75 : vector<784x128xf32>
    %get3A_77 = arith.constant 0 : index
    %get3A_78 = arith.constant 1 : index
    %get3A_79 = arith.constant 1 : index
    %get3A_80 = arith.constant 1 : index
    %get3A_81 = arith.constant 0 : index
    %get3A_82 = vector.load %arg1[%get3A_77, %get3A_78, %get3A_79, %get3A_80, %get3A_81] : memref<1x30x2x30x128xf32, #tpu.memory_space<vmem>>, vector<1x28x1x28x128xf32>
    %get3A_83 = vector.shape_cast %get3A_82 : vector<1x28x1x28x128xf32> to vector<28x28x128xf32>
    %reshape3A_84 = vector.shape_cast %get3A_83 : vector<28x28x128xf32> to vector<784x128xf32>
    %get3A_85 = arith.constant 5 : index
    %get3A_86 = arith.constant 0 : index
    %get3A_87 = arith.constant 0 : index
    %get3A_88 = vector.load %arg2[%get3A_85, %get3A_86, %get3A_87] : memref<6x128x128xf32, #tpu.memory_space<vmem>>, vector<1x128x128xf32>
    %get3A_89 = vector.shape_cast %get3A_88 : vector<1x128x128xf32> to vector<128x128xf32>
    %dot_general3A_90 = arith.constant dense<0.000000e+00> : vector<784x128xf32>
    %dot_general3A_91 = tpu.matmul %reshape3A_84, %get3A_89, %dot_general3A_90 {dimension_numbers = #tpu.dot_dimension_numbers<[1], [0], [0], [1], [0, 0, 1, 1], [], []>, transpose_lhs_hint = false} : vector<784x128xf32>, vector<128x128xf32>, vector<784x128xf32> -> vector<784x128xf32>
    %add3A_92 = arith.addf %add3A_76, %dot_general3A_91 : vector<784x128xf32>
    %get3A_93 = arith.constant 0 : index
    %get3A_94 = arith.constant 0 : index
    %get3A_95 = vector.load %arg3[%get3A_93, %get3A_94] : memref<1x128xf32, #tpu.memory_space<vmem>>, vector<1x128xf32>
    %add3A_96 = vector.broadcast %get3A_95 : vector<1x128xf32> to vector<784x128xf32>
    %add3A_97 = arith.addf %add3A_92, %add3A_96 : vector<784x128xf32>
    %max3A = arith.constant 0.000000e+00 : f32
    %max3A_98 = vector.broadcast %max3A : f32 to vector<784x128xf32>
    %max3A_99 = arith.maximumf %add3A_97, %max3A_98 : vector<784x128xf32>
    %reshape3A_100 = vector.shape_cast %max3A_99 : vector<784x128xf32> to vector<28x28x128xf32>
    %swap3A = arith.constant 0 : index
    %swap3A_101 = arith.constant 0 : index
    %swap3A_102 = arith.constant 0 : index
    %swap3A_103 = arith.constant 0 : index
    %swap3A_104 = vector.load %arg4[%swap3A, %swap3A_101, %swap3A_102, %swap3A_103] : memref<1x28x28x128xf32, #tpu.memory_space<vmem>>, vector<1x28x28x128xf32>
    %swap3A_105 = vector.shape_cast %swap3A_104 : vector<1x28x28x128xf32> to vector<28x28x128xf32>
    %swap3A_106 = vector.shape_cast %reshape3A_100 : vector<28x28x128xf32> to vector<1x28x28x128xf32>
    tpu.vector_store %arg4[%swap3A, %swap3A_101, %swap3A_102, %swap3A_103], %swap3A_106 {strides = array<i32>} : memref<1x28x28x128xf32, #tpu.memory_space<vmem>>, vector<1x28x28x128xf32>,
    return
  }
  func.func @transform_0(%arg0: i32) -> (i32, i32, i32, i32, i32) {
    %c0_i32 = arith.constant 0 : i32
    %c0_i32_0 = arith.constant 0 : i32
    %c0_i32_1 = arith.constant 0 : i32
    %c0_i32_2 = arith.constant 0 : i32
    %c0_i32_3 = arith.constant 0 : i32
    return %arg0, %c0_i32, %c0_i32_0, %c0_i32_1, %c0_i32_2 : i32, i32, i32, i32, i32
  }
  func.func @transform_1(%arg0: i32) -> (i32, i32, i32) {
    %c0_i32 = arith.constant 0 : i32
    %c0_i32_0 = arith.constant 0 : i32
    %c0_i32_1 = arith.constant 0 : i32
    %c0_i32_2 = arith.constant 0 : i32
    return %c0_i32, %c0_i32_0, %c0_i32_1 : i32, i32, i32
  }
  func.func @transform_2(%arg0: i32) -> (i32, i32) {
    %c0_i32 = arith.constant 0 : i32
    %c0_i32_0 = arith.constant 0 : i32
    %c0_i32_1 = arith.constant 0 : i32
    return %c0_i32, %c0_i32_0 : i32, i32
  }
  func.func @transform_3(%arg0: i32) -> (i32, i32, i32, i32) {
    %c0_i32 = arith.constant 0 : i32
    %c0_i32_0 = arith.constant 0 : i32
    %c0_i32_1 = arith.constant 0 : i32
    %c0_i32_2 = arith.constant 0 : i32
    return %arg0, %c0_i32, %c0_i32_0, %c0_i32_1 : i32, i32, i32, i32
  }
}

module attributes {stable_mosaic.version = 14 : i64} {
  func.func @body(%arg0: i32, %arg1: memref<1x28x28x128xf32, #tpu.memory_space<vmem>>, %arg2: memref<512x128xf32, #tpu.memory_space<vmem>>, %arg3: memref<1x800x1xi32, #tpu.memory_space<vmem>>) attributes {dimension_semantics = [#tpu.dimension_semantics<arbitrary>], iteration_bounds = array<i64: 8>, scalar_prefetch = 0 : i64, scratch_operands = 0 : i64, tpu.core_type = #tpu.core_type<tc>, window_params = [{transform_indices = @transform_0, window_bounds = array<i64: 1, 28, 28, 128>}, {pipeline_mode = #tpu.pipeline_mode<synchronous>, transform_indices = @transform_1, window_bounds = array<i64: 512, 128>}, {transform_indices = @transform_2, window_bounds = array<i64: 1, 800, 1>}]} {
    %get3A = arith.constant 0 : index
    %get3A_0 = arith.constant 0 : index
    %get3A_1 = arith.constant 0 : index
    %get3A_2 = arith.constant 0 : index
    %get3A_3 = vector.load %arg1[%get3A, %get3A_0, %get3A_1, %get3A_2] : memref<1x28x28x128xf32, #tpu.memory_space<vmem>>, vector<1x28x28x128xf32>
    %get3A_4 = vector.shape_cast %get3A_3 : vector<1x28x28x128xf32> to vector<28x28x128xf32>
    %reshape3A = vector.shape_cast %get3A_4 : vector<28x28x128xf32> to vector<784x128xf32>
    %get3A_5 = arith.constant 0 : index
    %get3A_6 = arith.constant 0 : index
    %get3A_7 = vector.load %arg2[%get3A_5, %get3A_6] : memref<512x128xf32, #tpu.memory_space<vmem>>, vector<512x128xf32>
    %dot_general3A = arith.constant dense<0.000000e+00> : vector<784x512xf32>
    %dot_general3A_8 = tpu.matmul %reshape3A, %get3A_7, %dot_general3A {dimension_numbers = #tpu.dot_dimension_numbers<[1], [1], [0], [0], [0, 0, 1, 0], [], []>, transpose_lhs_hint = false} : vector<784x128xf32>, vector<512x128xf32>, vector<784x512xf32> -> vector<784x512xf32>
    %broadcast_in_dim3A = arith.constant 1.000000e+00 : f32
    %broadcast_in_dim3A_9 = vector.broadcast %broadcast_in_dim3A : f32 to vector<1x128xf32>
    %mul3A = arith.mulf %get3A_7, %get3A_7 : vector<512x128xf32>
    %dot_general3A_10 = arith.constant dense<0.000000e+00> : vector<1x512xf32>
    %dot_general3A_11 = tpu.matmul %broadcast_in_dim3A_9, %mul3A, %dot_general3A_10 {dimension_numbers = #tpu.dot_dimension_numbers<[1], [1], [0], [0], [0, 0, 1, 0], [], []>, transpose_lhs_hint = false} : vector<1x128xf32>, vector<512x128xf32>, vector<1x512xf32> -> vector<1x512xf32>
    %mul3A_12 = arith.mulf %reshape3A, %reshape3A : vector<784x128xf32>
    %reduce_sum3A = arith.constant dense<0.000000e+00> : vector<784xf32>
    %reduce_sum3A_13 = vector.multi_reduction <add>, %mul3A_12, %reduce_sum3A [1] : vector<784x128xf32> to vector<784xf32>
    %broadcast_in_dim3A_14 = vector.shape_cast %reduce_sum3A_13 : vector<784xf32> to vector<784x1xf32>
    %mul3A_15 = arith.constant 2.000000e+00 : f32
    %mul3A_16 = vector.broadcast %mul3A_15 : f32 to vector<784x512xf32>
    %mul3A_17 = arith.mulf %mul3A_16, %dot_general3A_8 : vector<784x512xf32>
    %sub3A = vector.broadcast %broadcast_in_dim3A_14 : vector<784x1xf32> to vector<784x512xf32>
    %sub3A_18 = arith.subf %sub3A, %mul3A_17 : vector<784x512xf32>
    %add3A = vector.broadcast %dot_general3A_11 : vector<1x512xf32> to vector<784x512xf32>
    %add3A_19 = arith.addf %sub3A_18, %add3A : vector<784x512xf32>
    %reduce_min3A = arith.constant dense<0x7F800000> : vector<784xf32>
    %reduce_min3A_20 = vector.multi_reduction <minimumf>, %add3A_19, %reduce_min3A [1] : vector<784x512xf32> to vector<784xf32>
    %broadcast_in_dim3A_21 = vector.shape_cast %reduce_min3A_20 : vector<784xf32> to vector<784x1xf32>
    %iota3A = tpu.iota {dimensions = array<i32: 1>} : vector<784x512xi32>
    %eq3A = vector.broadcast %broadcast_in_dim3A_21 : vector<784x1xf32> to vector<784x512xf32>
    %eq3A_22 = arith.cmpf oeq, %add3A_19, %eq3A : vector<784x512xf32>
    %jit3A = arith.constant 512 : i32
    %broadcast_in_dim3A_23 = vector.broadcast %jit3A : i32 to vector<784x512xi32>
    %select_n3A = arith.select %eq3A_22, %iota3A, %broadcast_in_dim3A_23 : vector<784x512xi1>, vector<784x512xi32>
    %reduce_min3A_24 = arith.constant dense<2147483647> : vector<784xi32>
    %reduce_min3A_25 = vector.multi_reduction <minsi>, %select_n3A, %reduce_min3A_24 [1] : vector<784x512xi32> to vector<784xi32>
    %broadcast_in_dim3A_26 = vector.shape_cast %reduce_min3A_25 : vector<784xi32> to vector<784x1xi32>
    %swap3A = arith.constant 0 : index
    %swap3A_27 = arith.constant 0 : index
    %swap3A_28 = arith.constant 0 : index
    %swap3A_29 = vector.load %arg3[%swap3A, %swap3A_27, %swap3A_28] : memref<1x800x1xi32, #tpu.memory_space<vmem>>, vector<1x784x1xi32>
    %swap3A_30 = vector.shape_cast %swap3A_29 : vector<1x784x1xi32> to vector<784x1xi32>
    %swap3A_31 = vector.shape_cast %broadcast_in_dim3A_26 : vector<784x1xi32> to vector<1x784x1xi32>
    tpu.vector_store %arg3[%swap3A, %swap3A_27, %swap3A_28], %swap3A_31 {strides = array<i32>} : memref<1x800x1xi32, #tpu.memory_space<vmem>>, vector<1x784x1xi32>,
    %broadcast_in_dim3A_32 = arith.constant 0 : i32
    %broadcast_in_dim3A_33 = vector.broadcast %broadcast_in_dim3A_32 : i32 to vector<16x1xi32>
    %swap3A_34 = arith.constant 0 : index
    %swap3A_35 = arith.constant 784 : index
    %swap3A_36 = arith.constant 0 : index
    %swap3A_37 = vector.load %arg3[%swap3A_34, %swap3A_35, %swap3A_36] : memref<1x800x1xi32, #tpu.memory_space<vmem>>, vector<1x16x1xi32>
    %swap3A_38 = vector.shape_cast %swap3A_37 : vector<1x16x1xi32> to vector<16x1xi32>
    %swap3A_39 = vector.shape_cast %broadcast_in_dim3A_33 : vector<16x1xi32> to vector<1x16x1xi32>
    tpu.vector_store %arg3[%swap3A_34, %swap3A_35, %swap3A_36], %swap3A_39 {strides = array<i32>} : memref<1x800x1xi32, #tpu.memory_space<vmem>>, vector<1x16x1xi32>,
    return
  }
  func.func @transform_0(%arg0: i32) -> (i32, i32, i32, i32) {
    %c0_i32 = arith.constant 0 : i32
    %c0_i32_0 = arith.constant 0 : i32
    %c0_i32_1 = arith.constant 0 : i32
    %c0_i32_2 = arith.constant 0 : i32
    return %arg0, %c0_i32, %c0_i32_0, %c0_i32_1 : i32, i32, i32, i32
  }
  func.func @transform_1(%arg0: i32) -> (i32, i32) {
    %c0_i32 = arith.constant 0 : i32
    %c0_i32_0 = arith.constant 0 : i32
    %c0_i32_1 = arith.constant 0 : i32
    return %c0_i32, %c0_i32_0 : i32, i32
  }
  func.func @transform_2(%arg0: i32) -> (i32, i32, i32) {
    %c0_i32 = arith.constant 0 : i32
    %c0_i32_0 = arith.constant 0 : i32
    %c0_i32_1 = arith.constant 0 : i32
    return %arg0, %c0_i32, %c0_i32_0 : i32, i32, i32
  }
}

module attributes {stable_mosaic.version = 14 : i64} {
  func.func @body(%arg0: i32, %arg1: memref<1x29x29x128xf32, #tpu.memory_space<vmem>>, %arg2: memref<6x128x128xf32, #tpu.memory_space<vmem>>, %arg3: memref<1x128xf32, #tpu.memory_space<vmem>>, %arg4: memref<1x28x28x128xf32, #tpu.memory_space<vmem>>, %arg5: memref<1x28x2x28x128xf32, #tpu.memory_space<vmem>>, %arg6: memref<1x1xf32, #tpu.memory_space<smem>>) attributes {dimension_semantics = [#tpu.dimension_semantics<arbitrary>], iteration_bounds = array<i64: 8>, scalar_prefetch = 0 : i64, scratch_operands = 0 : i64, tpu.core_type = #tpu.core_type<tc>, window_params = [{transform_indices = @transform_0, window_bounds = array<i64: 1, 29, 29, 128>}, {pipeline_mode = #tpu.pipeline_mode<synchronous>, transform_indices = @transform_1, window_bounds = array<i64: 6, 128, 128>}, {pipeline_mode = #tpu.pipeline_mode<synchronous>, transform_indices = @transform_2, window_bounds = array<i64: 1, 128>}, {transform_indices = @transform_3, window_bounds = array<i64: 1, 28, 28, 128>}, {transform_indices = @transform_4, window_bounds = array<i64: 1, 28, 2, 28, 128>}, {transform_indices = @transform_5, window_bounds = array<i64: 1, 1>}]} {
    %broadcast_in_dim3A = arith.constant 0.000000e+00 : f32
    %broadcast_in_dim3A_0 = vector.broadcast %broadcast_in_dim3A : f32 to vector<784x128xf32>
    %get3A = arith.constant 0 : index
    %get3A_1 = arith.constant 0 : index
    %get3A_2 = arith.constant 0 : index
    %get3A_3 = arith.constant 0 : index
    %get3A_4 = vector.load %arg1[%get3A, %get3A_1, %get3A_2, %get3A_3] : memref<1x29x29x128xf32, #tpu.memory_space<vmem>>, vector<1x28x28x128xf32>
    %get3A_5 = vector.shape_cast %get3A_4 : vector<1x28x28x128xf32> to vector<28x28x128xf32>
    %reshape3A = vector.shape_cast %get3A_5 : vector<28x28x128xf32> to vector<784x128xf32>
    %get3A_6 = arith.constant 0 : index
    %get3A_7 = arith.constant 0 : index
    %get3A_8 = arith.constant 0 : index
    %get3A_9 = vector.load %arg2[%get3A_6, %get3A_7, %get3A_8] : memref<6x128x128xf32, #tpu.memory_space<vmem>>, vector<1x128x128xf32>
    %get3A_10 = vector.shape_cast %get3A_9 : vector<1x128x128xf32> to vector<128x128xf32>
    %dot_general3A = arith.constant dense<0.000000e+00> : vector<784x128xf32>
    %dot_general3A_11 = tpu.matmul %reshape3A, %get3A_10, %dot_general3A {dimension_numbers = #tpu.dot_dimension_numbers<[1], [0], [0], [1], [0, 0, 1, 1], [], []>, transpose_lhs_hint = false} : vector<784x128xf32>, vector<128x128xf32>, vector<784x128xf32> -> vector<784x128xf32>
    %add3A = arith.addf %broadcast_in_dim3A_0, %dot_general3A_11 : vector<784x128xf32>
    %get3A_12 = arith.constant 0 : index
    %get3A_13 = arith.constant 0 : index
    %get3A_14 = arith.constant 1 : index
    %get3A_15 = arith.constant 0 : index
    %get3A_16 = vector.load %arg1[%get3A_12, %get3A_13, %get3A_14, %get3A_15] : memref<1x29x29x128xf32, #tpu.memory_space<vmem>>, vector<1x28x28x128xf32>
    %get3A_17 = vector.shape_cast %get3A_16 : vector<1x28x28x128xf32> to vector<28x28x128xf32>
    %reshape3A_18 = vector.shape_cast %get3A_17 : vector<28x28x128xf32> to vector<784x128xf32>
    %get3A_19 = arith.constant 1 : index
    %get3A_20 = arith.constant 0 : index
    %get3A_21 = arith.constant 0 : index
    %get3A_22 = vector.load %arg2[%get3A_19, %get3A_20, %get3A_21] : memref<6x128x128xf32, #tpu.memory_space<vmem>>, vector<1x128x128xf32>
    %get3A_23 = vector.shape_cast %get3A_22 : vector<1x128x128xf32> to vector<128x128xf32>
    %dot_general3A_24 = arith.constant dense<0.000000e+00> : vector<784x128xf32>
    %dot_general3A_25 = tpu.matmul %reshape3A_18, %get3A_23, %dot_general3A_24 {dimension_numbers = #tpu.dot_dimension_numbers<[1], [0], [0], [1], [0, 0, 1, 1], [], []>, transpose_lhs_hint = false} : vector<784x128xf32>, vector<128x128xf32>, vector<784x128xf32> -> vector<784x128xf32>
    %add3A_26 = arith.addf %add3A, %dot_general3A_25 : vector<784x128xf32>
    %get3A_27 = arith.constant 0 : index
    %get3A_28 = arith.constant 0 : index
    %get3A_29 = vector.load %arg3[%get3A_27, %get3A_28] : memref<1x128xf32, #tpu.memory_space<vmem>>, vector<1x128xf32>
    %add3A_30 = vector.broadcast %get3A_29 : vector<1x128xf32> to vector<784x128xf32>
    %add3A_31 = arith.addf %add3A_26, %add3A_30 : vector<784x128xf32>
    %max3A = arith.constant 0.000000e+00 : f32
    %max3A_32 = vector.broadcast %max3A : f32 to vector<784x128xf32>
    %max3A_33 = arith.maximumf %add3A_31, %max3A_32 : vector<784x128xf32>
    %reshape3A_34 = vector.shape_cast %max3A_33 : vector<784x128xf32> to vector<28x28x128xf32>
    %swap3A = arith.constant 0 : index
    %swap3A_35 = arith.constant 0 : index
    %swap3A_36 = arith.constant 0 : index
    %swap3A_37 = arith.constant 0 : index
    %swap3A_38 = arith.constant 0 : index
    %swap3A_39 = vector.load %arg5[%swap3A, %swap3A_35, %swap3A_36, %swap3A_37, %swap3A_38] : memref<1x28x2x28x128xf32, #tpu.memory_space<vmem>>, vector<1x28x1x28x128xf32>
    %swap3A_40 = vector.shape_cast %swap3A_39 : vector<1x28x1x28x128xf32> to vector<28x28x128xf32>
    %swap3A_41 = vector.shape_cast %reshape3A_34 : vector<28x28x128xf32> to vector<1x28x1x28x128xf32>
    tpu.vector_store %arg5[%swap3A, %swap3A_35, %swap3A_36, %swap3A_37, %swap3A_38], %swap3A_41 {strides = array<i32>} : memref<1x28x2x28x128xf32, #tpu.memory_space<vmem>>, vector<1x28x1x28x128xf32>,
    %broadcast_in_dim3A_42 = arith.constant 0.000000e+00 : f32
    %broadcast_in_dim3A_43 = vector.broadcast %broadcast_in_dim3A_42 : f32 to vector<784x128xf32>
    %get3A_44 = arith.constant 0 : index
    %get3A_45 = arith.constant 0 : index
    %get3A_46 = arith.constant 0 : index
    %get3A_47 = arith.constant 0 : index
    %get3A_48 = vector.load %arg1[%get3A_44, %get3A_45, %get3A_46, %get3A_47] : memref<1x29x29x128xf32, #tpu.memory_space<vmem>>, vector<1x28x28x128xf32>
    %get3A_49 = vector.shape_cast %get3A_48 : vector<1x28x28x128xf32> to vector<28x28x128xf32>
    %reshape3A_50 = vector.shape_cast %get3A_49 : vector<28x28x128xf32> to vector<784x128xf32>
    %get3A_51 = arith.constant 2 : index
    %get3A_52 = arith.constant 0 : index
    %get3A_53 = arith.constant 0 : index
    %get3A_54 = vector.load %arg2[%get3A_51, %get3A_52, %get3A_53] : memref<6x128x128xf32, #tpu.memory_space<vmem>>, vector<1x128x128xf32>
    %get3A_55 = vector.shape_cast %get3A_54 : vector<1x128x128xf32> to vector<128x128xf32>
    %dot_general3A_56 = arith.constant dense<0.000000e+00> : vector<784x128xf32>
    %dot_general3A_57 = tpu.matmul %reshape3A_50, %get3A_55, %dot_general3A_56 {dimension_numbers = #tpu.dot_dimension_numbers<[1], [0], [0], [1], [0, 0, 1, 1], [], []>, transpose_lhs_hint = false} : vector<784x128xf32>, vector<128x128xf32>, vector<784x128xf32> -> vector<784x128xf32>
    %add3A_58 = arith.addf %broadcast_in_dim3A_43, %dot_general3A_57 : vector<784x128xf32>
    %get3A_59 = arith.constant 0 : index
    %get3A_60 = arith.constant 0 : index
    %get3A_61 = arith.constant 1 : index
    %get3A_62 = arith.constant 0 : index
    %get3A_63 = vector.load %arg1[%get3A_59, %get3A_60, %get3A_61, %get3A_62] : memref<1x29x29x128xf32, #tpu.memory_space<vmem>>, vector<1x28x28x128xf32>
    %get3A_64 = vector.shape_cast %get3A_63 : vector<1x28x28x128xf32> to vector<28x28x128xf32>
    %reshape3A_65 = vector.shape_cast %get3A_64 : vector<28x28x128xf32> to vector<784x128xf32>
    %get3A_66 = arith.constant 3 : index
    %get3A_67 = arith.constant 0 : index
    %get3A_68 = arith.constant 0 : index
    %get3A_69 = vector.load %arg2[%get3A_66, %get3A_67, %get3A_68] : memref<6x128x128xf32, #tpu.memory_space<vmem>>, vector<1x128x128xf32>
    %get3A_70 = vector.shape_cast %get3A_69 : vector<1x128x128xf32> to vector<128x128xf32>
    %dot_general3A_71 = arith.constant dense<0.000000e+00> : vector<784x128xf32>
    %dot_general3A_72 = tpu.matmul %reshape3A_65, %get3A_70, %dot_general3A_71 {dimension_numbers = #tpu.dot_dimension_numbers<[1], [0], [0], [1], [0, 0, 1, 1], [], []>, transpose_lhs_hint = false} : vector<784x128xf32>, vector<128x128xf32>, vector<784x128xf32> -> vector<784x128xf32>
    %add3A_73 = arith.addf %add3A_58, %dot_general3A_72 : vector<784x128xf32>
    %get3A_74 = arith.constant 0 : index
    %get3A_75 = arith.constant 1 : index
    %get3A_76 = arith.constant 0 : index
    %get3A_77 = arith.constant 0 : index
    %get3A_78 = vector.load %arg1[%get3A_74, %get3A_75, %get3A_76, %get3A_77] : memref<1x29x29x128xf32, #tpu.memory_space<vmem>>, vector<1x28x28x128xf32>
    %get3A_79 = vector.shape_cast %get3A_78 : vector<1x28x28x128xf32> to vector<28x28x128xf32>
    %reshape3A_80 = vector.shape_cast %get3A_79 : vector<28x28x128xf32> to vector<784x128xf32>
    %get3A_81 = arith.constant 4 : index
    %get3A_82 = arith.constant 0 : index
    %get3A_83 = arith.constant 0 : index
    %get3A_84 = vector.load %arg2[%get3A_81, %get3A_82, %get3A_83] : memref<6x128x128xf32, #tpu.memory_space<vmem>>, vector<1x128x128xf32>
    %get3A_85 = vector.shape_cast %get3A_84 : vector<1x128x128xf32> to vector<128x128xf32>
    %dot_general3A_86 = arith.constant dense<0.000000e+00> : vector<784x128xf32>
    %dot_general3A_87 = tpu.matmul %reshape3A_80, %get3A_85, %dot_general3A_86 {dimension_numbers = #tpu.dot_dimension_numbers<[1], [0], [0], [1], [0, 0, 1, 1], [], []>, transpose_lhs_hint = false} : vector<784x128xf32>, vector<128x128xf32>, vector<784x128xf32> -> vector<784x128xf32>
    %add3A_88 = arith.addf %add3A_73, %dot_general3A_87 : vector<784x128xf32>
    %get3A_89 = arith.constant 0 : index
    %get3A_90 = arith.constant 1 : index
    %get3A_91 = arith.constant 1 : index
    %get3A_92 = arith.constant 0 : index
    %get3A_93 = vector.load %arg1[%get3A_89, %get3A_90, %get3A_91, %get3A_92] : memref<1x29x29x128xf32, #tpu.memory_space<vmem>>, vector<1x28x28x128xf32>
    %get3A_94 = vector.shape_cast %get3A_93 : vector<1x28x28x128xf32> to vector<28x28x128xf32>
    %reshape3A_95 = vector.shape_cast %get3A_94 : vector<28x28x128xf32> to vector<784x128xf32>
    %get3A_96 = arith.constant 5 : index
    %get3A_97 = arith.constant 0 : index
    %get3A_98 = arith.constant 0 : index
    %get3A_99 = vector.load %arg2[%get3A_96, %get3A_97, %get3A_98] : memref<6x128x128xf32, #tpu.memory_space<vmem>>, vector<1x128x128xf32>
    %get3A_100 = vector.shape_cast %get3A_99 : vector<1x128x128xf32> to vector<128x128xf32>
    %dot_general3A_101 = arith.constant dense<0.000000e+00> : vector<784x128xf32>
    %dot_general3A_102 = tpu.matmul %reshape3A_95, %get3A_100, %dot_general3A_101 {dimension_numbers = #tpu.dot_dimension_numbers<[1], [0], [0], [1], [0, 0, 1, 1], [], []>, transpose_lhs_hint = false} : vector<784x128xf32>, vector<128x128xf32>, vector<784x128xf32> -> vector<784x128xf32>
    %add3A_103 = arith.addf %add3A_88, %dot_general3A_102 : vector<784x128xf32>
    %get3A_104 = arith.constant 0 : index
    %get3A_105 = arith.constant 0 : index
    %get3A_106 = vector.load %arg3[%get3A_104, %get3A_105] : memref<1x128xf32, #tpu.memory_space<vmem>>, vector<1x128xf32>
    %add3A_107 = vector.broadcast %get3A_106 : vector<1x128xf32> to vector<784x128xf32>
    %add3A_108 = arith.addf %add3A_103, %add3A_107 : vector<784x128xf32>
    %max3A_109 = arith.constant 0.000000e+00 : f32
    %max3A_110 = vector.broadcast %max3A_109 : f32 to vector<784x128xf32>
    %max3A_111 = arith.maximumf %add3A_108, %max3A_110 : vector<784x128xf32>
    %reshape3A_112 = vector.shape_cast %max3A_111 : vector<784x128xf32> to vector<28x28x128xf32>
    %swap3A_113 = arith.constant 0 : index
    %swap3A_114 = arith.constant 0 : index
    %swap3A_115 = arith.constant 1 : index
    %swap3A_116 = arith.constant 0 : index
    %swap3A_117 = arith.constant 0 : index
    %swap3A_118 = vector.load %arg5[%swap3A_113, %swap3A_114, %swap3A_115, %swap3A_116, %swap3A_117] : memref<1x28x2x28x128xf32, #tpu.memory_space<vmem>>, vector<1x28x1x28x128xf32>
    %swap3A_119 = vector.shape_cast %swap3A_118 : vector<1x28x1x28x128xf32> to vector<28x28x128xf32>
    %swap3A_120 = vector.shape_cast %reshape3A_112 : vector<28x28x128xf32> to vector<1x28x1x28x128xf32>
    tpu.vector_store %arg5[%swap3A_113, %swap3A_114, %swap3A_115, %swap3A_116, %swap3A_117], %swap3A_120 {strides = array<i32>} : memref<1x28x2x28x128xf32, #tpu.memory_space<vmem>>, vector<1x28x1x28x128xf32>,
    %get3A_121 = arith.constant 0 : index
    %get3A_122 = arith.constant 0 : index
    %get3A_123 = arith.constant 0 : index
    %get3A_124 = arith.constant 0 : index
    %get3A_125 = vector.load %arg1[%get3A_121, %get3A_122, %get3A_123, %get3A_124] : memref<1x29x29x128xf32, #tpu.memory_space<vmem>>, vector<1x28x28x128xf32>
    %get3A_126 = vector.shape_cast %get3A_125 : vector<1x28x28x128xf32> to vector<28x28x128xf32>
    %get3A_127 = arith.constant 0 : index
    %get3A_128 = arith.constant 0 : index
    %get3A_129 = arith.constant 0 : index
    %get3A_130 = arith.constant 0 : index
    %get3A_131 = vector.load %arg4[%get3A_127, %get3A_128, %get3A_129, %get3A_130] : memref<1x28x28x128xf32, #tpu.memory_space<vmem>>, vector<1x28x28x128xf32>
    %get3A_132 = vector.shape_cast %get3A_131 : vector<1x28x28x128xf32> to vector<28x28x128xf32>
    %sub3A = arith.subf %get3A_126, %get3A_132 : vector<28x28x128xf32>
    %eq3A = arith.constant 0 : i32
    %eq3A_133 = arith.cmpi eq, %arg0, %eq3A : i32
    %convert_element_type3A = arith.extui %eq3A_133 : i1 to i32
    %cond3A = arith.constant 0 : i32
    %cond3A_134 = arith.cmpi ne, %convert_element_type3A, %cond3A : i32
    scf.if %cond3A_134 {
      %swap3A_146 = arith.constant 0.000000e+00 : f32
      %swap3A_147 = arith.constant 0 : index
      %swap3A_148 = arith.constant 0 : index
      %swap3A_149 = memref.load %arg6[%swap3A_147, %swap3A_148] : memref<1x1xf32, #tpu.memory_space<smem>>
      memref.store %swap3A_146, %arg6[%swap3A_147, %swap3A_148] : memref<1x1xf32, #tpu.memory_space<smem>>
    } else {
    }
    %get3A_135 = arith.constant 0 : index
    %get3A_136 = arith.constant 0 : index
    %get3A_137 = memref.load %arg6[%get3A_135, %get3A_136] : memref<1x1xf32, #tpu.memory_space<smem>>
    %mul3A = arith.mulf %sub3A, %sub3A : vector<28x28x128xf32>
    %reduce_sum3A = vector.shape_cast %mul3A : vector<28x28x128xf32> to vector<1x28x28x128xf32>
    %reduce_sum3A_138 = arith.constant dense<0.000000e+00> : vector<1xf32>
    %reduce_sum3A_139 = vector.multi_reduction <add>, %reduce_sum3A, %reduce_sum3A_138 [1, 2, 3] : vector<1x28x28x128xf32> to vector<1xf32>
    %reduce_sum3A_140 = vector.shape_cast %reduce_sum3A_139 : vector<1xf32> to vector<1x1x1x1xf32>
    %reduce_sum3A_141 = vector.extract %reduce_sum3A_140[0, 0, 0, 0] : f32 from vector<1x1x1x1xf32>
    %add3A_142 = arith.addf %get3A_137, %reduce_sum3A_141 : f32
    %swap3A_143 = arith.constant 0 : index
    %swap3A_144 = arith.constant 0 : index
    %swap3A_145 = memref.load %arg6[%swap3A_143, %swap3A_144] : memref<1x1xf32, #tpu.memory_space<smem>>
    memref.store %add3A_142, %arg6[%swap3A_143, %swap3A_144] : memref<1x1xf32, #tpu.memory_space<smem>>
    return
  }
  func.func @transform_0(%arg0: i32) -> (i32, i32, i32, i32) {
    %c0_i32 = arith.constant 0 : i32
    %c0_i32_0 = arith.constant 0 : i32
    %c0_i32_1 = arith.constant 0 : i32
    %c0_i32_2 = arith.constant 0 : i32
    return %arg0, %c0_i32, %c0_i32_0, %c0_i32_1 : i32, i32, i32, i32
  }
  func.func @transform_1(%arg0: i32) -> (i32, i32, i32) {
    %c0_i32 = arith.constant 0 : i32
    %c0_i32_0 = arith.constant 0 : i32
    %c0_i32_1 = arith.constant 0 : i32
    %c0_i32_2 = arith.constant 0 : i32
    return %c0_i32, %c0_i32_0, %c0_i32_1 : i32, i32, i32
  }
  func.func @transform_2(%arg0: i32) -> (i32, i32) {
    %c0_i32 = arith.constant 0 : i32
    %c0_i32_0 = arith.constant 0 : i32
    %c0_i32_1 = arith.constant 0 : i32
    return %c0_i32, %c0_i32_0 : i32, i32
  }
  func.func @transform_3(%arg0: i32) -> (i32, i32, i32, i32) {
    %c0_i32 = arith.constant 0 : i32
    %c0_i32_0 = arith.constant 0 : i32
    %c0_i32_1 = arith.constant 0 : i32
    %c0_i32_2 = arith.constant 0 : i32
    return %arg0, %c0_i32, %c0_i32_0, %c0_i32_1 : i32, i32, i32, i32
  }
  func.func @transform_4(%arg0: i32) -> (i32, i32, i32, i32, i32) {
    %c0_i32 = arith.constant 0 : i32
    %c0_i32_0 = arith.constant 0 : i32
    %c0_i32_1 = arith.constant 0 : i32
    %c0_i32_2 = arith.constant 0 : i32
    %c0_i32_3 = arith.constant 0 : i32
    return %arg0, %c0_i32, %c0_i32_0, %c0_i32_1, %c0_i32_2 : i32, i32, i32, i32, i32
  }
  func.func @transform_5(%arg0: i32) -> (i32, i32) {
    %c0_i32 = arith.constant 0 : i32
    %c0_i32_0 = arith.constant 0 : i32
    %c0_i32_1 = arith.constant 0 : i32
    return %c0_i32, %c0_i32_0 : i32, i32
  }
}

module attributes {stable_mosaic.version = 14 : i64} {
  func.func @body(%arg0: i32, %arg1: memref<1x57x29x128xf32, #tpu.memory_space<vmem>>, %arg2: memref<6x128x128xf32, #tpu.memory_space<vmem>>, %arg3: memref<1x128xf32, #tpu.memory_space<vmem>>, %arg4: memref<1x56x2x28x128xf32, #tpu.memory_space<vmem>>) attributes {dimension_semantics = [#tpu.dimension_semantics<arbitrary>], iteration_bounds = array<i64: 8>, scalar_prefetch = 0 : i64, scratch_operands = 0 : i64, tpu.core_type = #tpu.core_type<tc>, window_params = [{transform_indices = @transform_0, window_bounds = array<i64: 1, 57, 29, 128>}, {pipeline_mode = #tpu.pipeline_mode<synchronous>, transform_indices = @transform_1, window_bounds = array<i64: 6, 128, 128>}, {pipeline_mode = #tpu.pipeline_mode<synchronous>, transform_indices = @transform_2, window_bounds = array<i64: 1, 128>}, {transform_indices = @transform_3, window_bounds = array<i64: 1, 56, 2, 28, 128>}]} {
    %broadcast_in_dim3A = arith.constant 0.000000e+00 : f32
    %broadcast_in_dim3A_0 = vector.broadcast %broadcast_in_dim3A : f32 to vector<1568x128xf32>
    %get3A = arith.constant 0 : index
    %get3A_1 = arith.constant 0 : index
    %get3A_2 = arith.constant 0 : index
    %get3A_3 = arith.constant 0 : index
    %get3A_4 = vector.load %arg1[%get3A, %get3A_1, %get3A_2, %get3A_3] : memref<1x57x29x128xf32, #tpu.memory_space<vmem>>, vector<1x56x28x128xf32>
    %get3A_5 = vector.shape_cast %get3A_4 : vector<1x56x28x128xf32> to vector<56x28x128xf32>
    %reshape3A = vector.shape_cast %get3A_5 : vector<56x28x128xf32> to vector<1568x128xf32>
    %get3A_6 = arith.constant 0 : index
    %get3A_7 = arith.constant 0 : index
    %get3A_8 = arith.constant 0 : index
    %get3A_9 = vector.load %arg2[%get3A_6, %get3A_7, %get3A_8] : memref<6x128x128xf32, #tpu.memory_space<vmem>>, vector<1x128x128xf32>
    %get3A_10 = vector.shape_cast %get3A_9 : vector<1x128x128xf32> to vector<128x128xf32>
    %dot_general3A = arith.constant dense<0.000000e+00> : vector<1568x128xf32>
    %dot_general3A_11 = tpu.matmul %reshape3A, %get3A_10, %dot_general3A {dimension_numbers = #tpu.dot_dimension_numbers<[1], [0], [0], [1], [0, 0, 1, 1], [], []>, transpose_lhs_hint = false} : vector<1568x128xf32>, vector<128x128xf32>, vector<1568x128xf32> -> vector<1568x128xf32>
    %add3A = arith.addf %broadcast_in_dim3A_0, %dot_general3A_11 : vector<1568x128xf32>
    %get3A_12 = arith.constant 0 : index
    %get3A_13 = arith.constant 0 : index
    %get3A_14 = arith.constant 1 : index
    %get3A_15 = arith.constant 0 : index
    %get3A_16 = vector.load %arg1[%get3A_12, %get3A_13, %get3A_14, %get3A_15] : memref<1x57x29x128xf32, #tpu.memory_space<vmem>>, vector<1x56x28x128xf32>
    %get3A_17 = vector.shape_cast %get3A_16 : vector<1x56x28x128xf32> to vector<56x28x128xf32>
    %reshape3A_18 = vector.shape_cast %get3A_17 : vector<56x28x128xf32> to vector<1568x128xf32>
    %get3A_19 = arith.constant 1 : index
    %get3A_20 = arith.constant 0 : index
    %get3A_21 = arith.constant 0 : index
    %get3A_22 = vector.load %arg2[%get3A_19, %get3A_20, %get3A_21] : memref<6x128x128xf32, #tpu.memory_space<vmem>>, vector<1x128x128xf32>
    %get3A_23 = vector.shape_cast %get3A_22 : vector<1x128x128xf32> to vector<128x128xf32>
    %dot_general3A_24 = arith.constant dense<0.000000e+00> : vector<1568x128xf32>
    %dot_general3A_25 = tpu.matmul %reshape3A_18, %get3A_23, %dot_general3A_24 {dimension_numbers = #tpu.dot_dimension_numbers<[1], [0], [0], [1], [0, 0, 1, 1], [], []>, transpose_lhs_hint = false} : vector<1568x128xf32>, vector<128x128xf32>, vector<1568x128xf32> -> vector<1568x128xf32>
    %add3A_26 = arith.addf %add3A, %dot_general3A_25 : vector<1568x128xf32>
    %get3A_27 = arith.constant 0 : index
    %get3A_28 = arith.constant 0 : index
    %get3A_29 = vector.load %arg3[%get3A_27, %get3A_28] : memref<1x128xf32, #tpu.memory_space<vmem>>, vector<1x128xf32>
    %add3A_30 = vector.broadcast %get3A_29 : vector<1x128xf32> to vector<1568x128xf32>
    %add3A_31 = arith.addf %add3A_26, %add3A_30 : vector<1568x128xf32>
    %max3A = arith.constant 0.000000e+00 : f32
    %max3A_32 = vector.broadcast %max3A : f32 to vector<1568x128xf32>
    %max3A_33 = arith.maximumf %add3A_31, %max3A_32 : vector<1568x128xf32>
    %reshape3A_34 = vector.shape_cast %max3A_33 : vector<1568x128xf32> to vector<56x28x128xf32>
    %swap3A = arith.constant 0 : index
    %swap3A_35 = arith.constant 0 : index
    %swap3A_36 = arith.constant 0 : index
    %swap3A_37 = arith.constant 0 : index
    %swap3A_38 = arith.constant 0 : index
    %swap3A_39 = vector.load %arg4[%swap3A, %swap3A_35, %swap3A_36, %swap3A_37, %swap3A_38] : memref<1x56x2x28x128xf32, #tpu.memory_space<vmem>>, vector<1x56x1x28x128xf32>
    %swap3A_40 = vector.shape_cast %swap3A_39 : vector<1x56x1x28x128xf32> to vector<56x28x128xf32>
    %swap3A_41 = vector.shape_cast %reshape3A_34 : vector<56x28x128xf32> to vector<1x56x1x28x128xf32>
    tpu.vector_store %arg4[%swap3A, %swap3A_35, %swap3A_36, %swap3A_37, %swap3A_38], %swap3A_41 {strides = array<i32>} : memref<1x56x2x28x128xf32, #tpu.memory_space<vmem>>, vector<1x56x1x28x128xf32>,
    %broadcast_in_dim3A_42 = arith.constant 0.000000e+00 : f32
    %broadcast_in_dim3A_43 = vector.broadcast %broadcast_in_dim3A_42 : f32 to vector<1568x128xf32>
    %get3A_44 = arith.constant 0 : index
    %get3A_45 = arith.constant 0 : index
    %get3A_46 = arith.constant 0 : index
    %get3A_47 = arith.constant 0 : index
    %get3A_48 = vector.load %arg1[%get3A_44, %get3A_45, %get3A_46, %get3A_47] : memref<1x57x29x128xf32, #tpu.memory_space<vmem>>, vector<1x56x28x128xf32>
    %get3A_49 = vector.shape_cast %get3A_48 : vector<1x56x28x128xf32> to vector<56x28x128xf32>
    %reshape3A_50 = vector.shape_cast %get3A_49 : vector<56x28x128xf32> to vector<1568x128xf32>
    %get3A_51 = arith.constant 2 : index
    %get3A_52 = arith.constant 0 : index
    %get3A_53 = arith.constant 0 : index
    %get3A_54 = vector.load %arg2[%get3A_51, %get3A_52, %get3A_53] : memref<6x128x128xf32, #tpu.memory_space<vmem>>, vector<1x128x128xf32>
    %get3A_55 = vector.shape_cast %get3A_54 : vector<1x128x128xf32> to vector<128x128xf32>
    %dot_general3A_56 = arith.constant dense<0.000000e+00> : vector<1568x128xf32>
    %dot_general3A_57 = tpu.matmul %reshape3A_50, %get3A_55, %dot_general3A_56 {dimension_numbers = #tpu.dot_dimension_numbers<[1], [0], [0], [1], [0, 0, 1, 1], [], []>, transpose_lhs_hint = false} : vector<1568x128xf32>, vector<128x128xf32>, vector<1568x128xf32> -> vector<1568x128xf32>
    %add3A_58 = arith.addf %broadcast_in_dim3A_43, %dot_general3A_57 : vector<1568x128xf32>
    %get3A_59 = arith.constant 0 : index
    %get3A_60 = arith.constant 0 : index
    %get3A_61 = arith.constant 1 : index
    %get3A_62 = arith.constant 0 : index
    %get3A_63 = vector.load %arg1[%get3A_59, %get3A_60, %get3A_61, %get3A_62] : memref<1x57x29x128xf32, #tpu.memory_space<vmem>>, vector<1x56x28x128xf32>
    %get3A_64 = vector.shape_cast %get3A_63 : vector<1x56x28x128xf32> to vector<56x28x128xf32>
    %reshape3A_65 = vector.shape_cast %get3A_64 : vector<56x28x128xf32> to vector<1568x128xf32>
    %get3A_66 = arith.constant 3 : index
    %get3A_67 = arith.constant 0 : index
    %get3A_68 = arith.constant 0 : index
    %get3A_69 = vector.load %arg2[%get3A_66, %get3A_67, %get3A_68] : memref<6x128x128xf32, #tpu.memory_space<vmem>>, vector<1x128x128xf32>
    %get3A_70 = vector.shape_cast %get3A_69 : vector<1x128x128xf32> to vector<128x128xf32>
    %dot_general3A_71 = arith.constant dense<0.000000e+00> : vector<1568x128xf32>
    %dot_general3A_72 = tpu.matmul %reshape3A_65, %get3A_70, %dot_general3A_71 {dimension_numbers = #tpu.dot_dimension_numbers<[1], [0], [0], [1], [0, 0, 1, 1], [], []>, transpose_lhs_hint = false} : vector<1568x128xf32>, vector<128x128xf32>, vector<1568x128xf32> -> vector<1568x128xf32>
    %add3A_73 = arith.addf %add3A_58, %dot_general3A_72 : vector<1568x128xf32>
    %get3A_74 = arith.constant 0 : index
    %get3A_75 = arith.constant 1 : index
    %get3A_76 = arith.constant 0 : index
    %get3A_77 = arith.constant 0 : index
    %get3A_78 = vector.load %arg1[%get3A_74, %get3A_75, %get3A_76, %get3A_77] : memref<1x57x29x128xf32, #tpu.memory_space<vmem>>, vector<1x56x28x128xf32>
    %get3A_79 = vector.shape_cast %get3A_78 : vector<1x56x28x128xf32> to vector<56x28x128xf32>
    %reshape3A_80 = vector.shape_cast %get3A_79 : vector<56x28x128xf32> to vector<1568x128xf32>
    %get3A_81 = arith.constant 4 : index
    %get3A_82 = arith.constant 0 : index
    %get3A_83 = arith.constant 0 : index
    %get3A_84 = vector.load %arg2[%get3A_81, %get3A_82, %get3A_83] : memref<6x128x128xf32, #tpu.memory_space<vmem>>, vector<1x128x128xf32>
    %get3A_85 = vector.shape_cast %get3A_84 : vector<1x128x128xf32> to vector<128x128xf32>
    %dot_general3A_86 = arith.constant dense<0.000000e+00> : vector<1568x128xf32>
    %dot_general3A_87 = tpu.matmul %reshape3A_80, %get3A_85, %dot_general3A_86 {dimension_numbers = #tpu.dot_dimension_numbers<[1], [0], [0], [1], [0, 0, 1, 1], [], []>, transpose_lhs_hint = false} : vector<1568x128xf32>, vector<128x128xf32>, vector<1568x128xf32> -> vector<1568x128xf32>
    %add3A_88 = arith.addf %add3A_73, %dot_general3A_87 : vector<1568x128xf32>
    %get3A_89 = arith.constant 0 : index
    %get3A_90 = arith.constant 1 : index
    %get3A_91 = arith.constant 1 : index
    %get3A_92 = arith.constant 0 : index
    %get3A_93 = vector.load %arg1[%get3A_89, %get3A_90, %get3A_91, %get3A_92] : memref<1x57x29x128xf32, #tpu.memory_space<vmem>>, vector<1x56x28x128xf32>
    %get3A_94 = vector.shape_cast %get3A_93 : vector<1x56x28x128xf32> to vector<56x28x128xf32>
    %reshape3A_95 = vector.shape_cast %get3A_94 : vector<56x28x128xf32> to vector<1568x128xf32>
    %get3A_96 = arith.constant 5 : index
    %get3A_97 = arith.constant 0 : index
    %get3A_98 = arith.constant 0 : index
    %get3A_99 = vector.load %arg2[%get3A_96, %get3A_97, %get3A_98] : memref<6x128x128xf32, #tpu.memory_space<vmem>>, vector<1x128x128xf32>
    %get3A_100 = vector.shape_cast %get3A_99 : vector<1x128x128xf32> to vector<128x128xf32>
    %dot_general3A_101 = arith.constant dense<0.000000e+00> : vector<1568x128xf32>
    %dot_general3A_102 = tpu.matmul %reshape3A_95, %get3A_100, %dot_general3A_101 {dimension_numbers = #tpu.dot_dimension_numbers<[1], [0], [0], [1], [0, 0, 1, 1], [], []>, transpose_lhs_hint = false} : vector<1568x128xf32>, vector<128x128xf32>, vector<1568x128xf32> -> vector<1568x128xf32>
    %add3A_103 = arith.addf %add3A_88, %dot_general3A_102 : vector<1568x128xf32>
    %get3A_104 = arith.constant 0 : index
    %get3A_105 = arith.constant 0 : index
    %get3A_106 = vector.load %arg3[%get3A_104, %get3A_105] : memref<1x128xf32, #tpu.memory_space<vmem>>, vector<1x128xf32>
    %add3A_107 = vector.broadcast %get3A_106 : vector<1x128xf32> to vector<1568x128xf32>
    %add3A_108 = arith.addf %add3A_103, %add3A_107 : vector<1568x128xf32>
    %max3A_109 = arith.constant 0.000000e+00 : f32
    %max3A_110 = vector.broadcast %max3A_109 : f32 to vector<1568x128xf32>
    %max3A_111 = arith.maximumf %add3A_108, %max3A_110 : vector<1568x128xf32>
    %reshape3A_112 = vector.shape_cast %max3A_111 : vector<1568x128xf32> to vector<56x28x128xf32>
    %swap3A_113 = arith.constant 0 : index
    %swap3A_114 = arith.constant 0 : index
    %swap3A_115 = arith.constant 1 : index
    %swap3A_116 = arith.constant 0 : index
    %swap3A_117 = arith.constant 0 : index
    %swap3A_118 = vector.load %arg4[%swap3A_113, %swap3A_114, %swap3A_115, %swap3A_116, %swap3A_117] : memref<1x56x2x28x128xf32, #tpu.memory_space<vmem>>, vector<1x56x1x28x128xf32>
    %swap3A_119 = vector.shape_cast %swap3A_118 : vector<1x56x1x28x128xf32> to vector<56x28x128xf32>
    %swap3A_120 = vector.shape_cast %reshape3A_112 : vector<56x28x128xf32> to vector<1x56x1x28x128xf32>
    tpu.vector_store %arg4[%swap3A_113, %swap3A_114, %swap3A_115, %swap3A_116, %swap3A_117], %swap3A_120 {strides = array<i32>} : memref<1x56x2x28x128xf32, #tpu.memory_space<vmem>>, vector<1x56x1x28x128xf32>,
    return
  }
  func.func @transform_0(%arg0: i32) -> (i32, i32, i32, i32) {
    %c0_i32 = arith.constant 0 : i32
    %c0_i32_0 = arith.constant 0 : i32
    %c0_i32_1 = arith.constant 0 : i32
    %c0_i32_2 = arith.constant 0 : i32
    return %arg0, %c0_i32, %c0_i32_0, %c0_i32_1 : i32, i32, i32, i32
  }
  func.func @transform_1(%arg0: i32) -> (i32, i32, i32) {
    %c0_i32 = arith.constant 0 : i32
    %c0_i32_0 = arith.constant 0 : i32
    %c0_i32_1 = arith.constant 0 : i32
    %c0_i32_2 = arith.constant 0 : i32
    return %c0_i32, %c0_i32_0, %c0_i32_1 : i32, i32, i32
  }
  func.func @transform_2(%arg0: i32) -> (i32, i32) {
    %c0_i32 = arith.constant 0 : i32
    %c0_i32_0 = arith.constant 0 : i32
    %c0_i32_1 = arith.constant 0 : i32
    return %c0_i32, %c0_i32_0 : i32, i32
  }
  func.func @transform_3(%arg0: i32) -> (i32, i32, i32, i32, i32) {
    %c0_i32 = arith.constant 0 : i32
    %c0_i32_0 = arith.constant 0 : i32
    %c0_i32_1 = arith.constant 0 : i32
    %c0_i32_2 = arith.constant 0 : i32
    %c0_i32_3 = arith.constant 0 : i32
    return %arg0, %c0_i32, %c0_i32_0, %c0_i32_1, %c0_i32_2 : i32, i32, i32, i32, i32
  }
}

module attributes {stable_mosaic.version = 14 : i64} {
  func.func @body(%arg0: i32, %arg1: memref<1x113x29x128xf32, #tpu.memory_space<vmem>>, %arg2: memref<6x128x128xf32, #tpu.memory_space<vmem>>, %arg3: memref<1x128xf32, #tpu.memory_space<vmem>>, %arg4: memref<1x115x2x30x128xf32, #tpu.memory_space<vmem>>) attributes {dimension_semantics = [#tpu.dimension_semantics<arbitrary>], iteration_bounds = array<i64: 8>, scalar_prefetch = 0 : i64, scratch_operands = 0 : i64, tpu.core_type = #tpu.core_type<tc>, window_params = [{transform_indices = @transform_0, window_bounds = array<i64: 1, 113, 29, 128>}, {pipeline_mode = #tpu.pipeline_mode<synchronous>, transform_indices = @transform_1, window_bounds = array<i64: 6, 128, 128>}, {pipeline_mode = #tpu.pipeline_mode<synchronous>, transform_indices = @transform_2, window_bounds = array<i64: 1, 128>}, {transform_indices = @transform_3, window_bounds = array<i64: 1, 115, 2, 30, 128>}]} {
    %broadcast_in_dim3A = arith.constant 0.000000e+00 : f32
    %broadcast_in_dim3A_0 = vector.broadcast %broadcast_in_dim3A : f32 to vector<3136x128xf32>
    %get3A = arith.constant 0 : index
    %get3A_1 = arith.constant 0 : index
    %get3A_2 = arith.constant 0 : index
    %get3A_3 = arith.constant 0 : index
    %get3A_4 = vector.load %arg1[%get3A, %get3A_1, %get3A_2, %get3A_3] : memref<1x113x29x128xf32, #tpu.memory_space<vmem>>, vector<1x112x28x128xf32>
    %get3A_5 = vector.shape_cast %get3A_4 : vector<1x112x28x128xf32> to vector<112x28x128xf32>
    %reshape3A = vector.shape_cast %get3A_5 : vector<112x28x128xf32> to vector<3136x128xf32>
    %get3A_6 = arith.constant 0 : index
    %get3A_7 = arith.constant 0 : index
    %get3A_8 = arith.constant 0 : index
    %get3A_9 = vector.load %arg2[%get3A_6, %get3A_7, %get3A_8] : memref<6x128x128xf32, #tpu.memory_space<vmem>>, vector<1x128x128xf32>
    %get3A_10 = vector.shape_cast %get3A_9 : vector<1x128x128xf32> to vector<128x128xf32>
    %dot_general3A = arith.constant dense<0.000000e+00> : vector<3136x128xf32>
    %dot_general3A_11 = tpu.matmul %reshape3A, %get3A_10, %dot_general3A {dimension_numbers = #tpu.dot_dimension_numbers<[1], [0], [0], [1], [0, 0, 1, 1], [], []>, transpose_lhs_hint = false} : vector<3136x128xf32>, vector<128x128xf32>, vector<3136x128xf32> -> vector<3136x128xf32>
    %add3A = arith.addf %broadcast_in_dim3A_0, %dot_general3A_11 : vector<3136x128xf32>
    %get3A_12 = arith.constant 0 : index
    %get3A_13 = arith.constant 0 : index
    %get3A_14 = arith.constant 1 : index
    %get3A_15 = arith.constant 0 : index
    %get3A_16 = vector.load %arg1[%get3A_12, %get3A_13, %get3A_14, %get3A_15] : memref<1x113x29x128xf32, #tpu.memory_space<vmem>>, vector<1x112x28x128xf32>
    %get3A_17 = vector.shape_cast %get3A_16 : vector<1x112x28x128xf32> to vector<112x28x128xf32>
    %reshape3A_18 = vector.shape_cast %get3A_17 : vector<112x28x128xf32> to vector<3136x128xf32>
    %get3A_19 = arith.constant 1 : index
    %get3A_20 = arith.constant 0 : index
    %get3A_21 = arith.constant 0 : index
    %get3A_22 = vector.load %arg2[%get3A_19, %get3A_20, %get3A_21] : memref<6x128x128xf32, #tpu.memory_space<vmem>>, vector<1x128x128xf32>
    %get3A_23 = vector.shape_cast %get3A_22 : vector<1x128x128xf32> to vector<128x128xf32>
    %dot_general3A_24 = arith.constant dense<0.000000e+00> : vector<3136x128xf32>
    %dot_general3A_25 = tpu.matmul %reshape3A_18, %get3A_23, %dot_general3A_24 {dimension_numbers = #tpu.dot_dimension_numbers<[1], [0], [0], [1], [0, 0, 1, 1], [], []>, transpose_lhs_hint = false} : vector<3136x128xf32>, vector<128x128xf32>, vector<3136x128xf32> -> vector<3136x128xf32>
    %add3A_26 = arith.addf %add3A, %dot_general3A_25 : vector<3136x128xf32>
    %get3A_27 = arith.constant 0 : index
    %get3A_28 = arith.constant 0 : index
    %get3A_29 = vector.load %arg3[%get3A_27, %get3A_28] : memref<1x128xf32, #tpu.memory_space<vmem>>, vector<1x128xf32>
    %add3A_30 = vector.broadcast %get3A_29 : vector<1x128xf32> to vector<3136x128xf32>
    %add3A_31 = arith.addf %add3A_26, %add3A_30 : vector<3136x128xf32>
    %max3A = arith.constant 0.000000e+00 : f32
    %max3A_32 = vector.broadcast %max3A : f32 to vector<3136x128xf32>
    %max3A_33 = arith.maximumf %add3A_31, %max3A_32 : vector<3136x128xf32>
    %reshape3A_34 = vector.shape_cast %max3A_33 : vector<3136x128xf32> to vector<112x28x128xf32>
    %swap3A = arith.constant 0 : index
    %swap3A_35 = arith.constant 1 : index
    %swap3A_36 = arith.constant 0 : index
    %swap3A_37 = arith.constant 1 : index
    %swap3A_38 = arith.constant 0 : index
    %swap3A_39 = vector.load %arg4[%swap3A, %swap3A_35, %swap3A_36, %swap3A_37, %swap3A_38] : memref<1x115x2x30x128xf32, #tpu.memory_space<vmem>>, vector<1x112x1x28x128xf32>
    %swap3A_40 = vector.shape_cast %swap3A_39 : vector<1x112x1x28x128xf32> to vector<112x28x128xf32>
    %swap3A_41 = vector.shape_cast %reshape3A_34 : vector<112x28x128xf32> to vector<1x112x1x28x128xf32>
    tpu.vector_store %arg4[%swap3A, %swap3A_35, %swap3A_36, %swap3A_37, %swap3A_38], %swap3A_41 {strides = array<i32>} : memref<1x115x2x30x128xf32, #tpu.memory_space<vmem>>, vector<1x112x1x28x128xf32>,
    %broadcast_in_dim3A_42 = arith.constant 0.000000e+00 : f32
    %broadcast_in_dim3A_43 = vector.broadcast %broadcast_in_dim3A_42 : f32 to vector<3136x128xf32>
    %get3A_44 = arith.constant 0 : index
    %get3A_45 = arith.constant 0 : index
    %get3A_46 = arith.constant 0 : index
    %get3A_47 = arith.constant 0 : index
    %get3A_48 = vector.load %arg1[%get3A_44, %get3A_45, %get3A_46, %get3A_47] : memref<1x113x29x128xf32, #tpu.memory_space<vmem>>, vector<1x112x28x128xf32>
    %get3A_49 = vector.shape_cast %get3A_48 : vector<1x112x28x128xf32> to vector<112x28x128xf32>
    %reshape3A_50 = vector.shape_cast %get3A_49 : vector<112x28x128xf32> to vector<3136x128xf32>
    %get3A_51 = arith.constant 2 : index
    %get3A_52 = arith.constant 0 : index
    %get3A_53 = arith.constant 0 : index
    %get3A_54 = vector.load %arg2[%get3A_51, %get3A_52, %get3A_53] : memref<6x128x128xf32, #tpu.memory_space<vmem>>, vector<1x128x128xf32>
    %get3A_55 = vector.shape_cast %get3A_54 : vector<1x128x128xf32> to vector<128x128xf32>
    %dot_general3A_56 = arith.constant dense<0.000000e+00> : vector<3136x128xf32>
    %dot_general3A_57 = tpu.matmul %reshape3A_50, %get3A_55, %dot_general3A_56 {dimension_numbers = #tpu.dot_dimension_numbers<[1], [0], [0], [1], [0, 0, 1, 1], [], []>, transpose_lhs_hint = false} : vector<3136x128xf32>, vector<128x128xf32>, vector<3136x128xf32> -> vector<3136x128xf32>
    %add3A_58 = arith.addf %broadcast_in_dim3A_43, %dot_general3A_57 : vector<3136x128xf32>
    %get3A_59 = arith.constant 0 : index
    %get3A_60 = arith.constant 0 : index
    %get3A_61 = arith.constant 1 : index
    %get3A_62 = arith.constant 0 : index
    %get3A_63 = vector.load %arg1[%get3A_59, %get3A_60, %get3A_61, %get3A_62] : memref<1x113x29x128xf32, #tpu.memory_space<vmem>>, vector<1x112x28x128xf32>
    %get3A_64 = vector.shape_cast %get3A_63 : vector<1x112x28x128xf32> to vector<112x28x128xf32>
    %reshape3A_65 = vector.shape_cast %get3A_64 : vector<112x28x128xf32> to vector<3136x128xf32>
    %get3A_66 = arith.constant 3 : index
    %get3A_67 = arith.constant 0 : index
    %get3A_68 = arith.constant 0 : index
    %get3A_69 = vector.load %arg2[%get3A_66, %get3A_67, %get3A_68] : memref<6x128x128xf32, #tpu.memory_space<vmem>>, vector<1x128x128xf32>
    %get3A_70 = vector.shape_cast %get3A_69 : vector<1x128x128xf32> to vector<128x128xf32>
    %dot_general3A_71 = arith.constant dense<0.000000e+00> : vector<3136x128xf32>
    %dot_general3A_72 = tpu.matmul %reshape3A_65, %get3A_70, %dot_general3A_71 {dimension_numbers = #tpu.dot_dimension_numbers<[1], [0], [0], [1], [0, 0, 1, 1], [], []>, transpose_lhs_hint = false} : vector<3136x128xf32>, vector<128x128xf32>, vector<3136x128xf32> -> vector<3136x128xf32>
    %add3A_73 = arith.addf %add3A_58, %dot_general3A_72 : vector<3136x128xf32>
    %get3A_74 = arith.constant 0 : index
    %get3A_75 = arith.constant 1 : index
    %get3A_76 = arith.constant 0 : index
    %get3A_77 = arith.constant 0 : index
    %get3A_78 = vector.load %arg1[%get3A_74, %get3A_75, %get3A_76, %get3A_77] : memref<1x113x29x128xf32, #tpu.memory_space<vmem>>, vector<1x112x28x128xf32>
    %get3A_79 = vector.shape_cast %get3A_78 : vector<1x112x28x128xf32> to vector<112x28x128xf32>
    %reshape3A_80 = vector.shape_cast %get3A_79 : vector<112x28x128xf32> to vector<3136x128xf32>
    %get3A_81 = arith.constant 4 : index
    %get3A_82 = arith.constant 0 : index
    %get3A_83 = arith.constant 0 : index
    %get3A_84 = vector.load %arg2[%get3A_81, %get3A_82, %get3A_83] : memref<6x128x128xf32, #tpu.memory_space<vmem>>, vector<1x128x128xf32>
    %get3A_85 = vector.shape_cast %get3A_84 : vector<1x128x128xf32> to vector<128x128xf32>
    %dot_general3A_86 = arith.constant dense<0.000000e+00> : vector<3136x128xf32>
    %dot_general3A_87 = tpu.matmul %reshape3A_80, %get3A_85, %dot_general3A_86 {dimension_numbers = #tpu.dot_dimension_numbers<[1], [0], [0], [1], [0, 0, 1, 1], [], []>, transpose_lhs_hint = false} : vector<3136x128xf32>, vector<128x128xf32>, vector<3136x128xf32> -> vector<3136x128xf32>
    %add3A_88 = arith.addf %add3A_73, %dot_general3A_87 : vector<3136x128xf32>
    %get3A_89 = arith.constant 0 : index
    %get3A_90 = arith.constant 1 : index
    %get3A_91 = arith.constant 1 : index
    %get3A_92 = arith.constant 0 : index
    %get3A_93 = vector.load %arg1[%get3A_89, %get3A_90, %get3A_91, %get3A_92] : memref<1x113x29x128xf32, #tpu.memory_space<vmem>>, vector<1x112x28x128xf32>
    %get3A_94 = vector.shape_cast %get3A_93 : vector<1x112x28x128xf32> to vector<112x28x128xf32>
    %reshape3A_95 = vector.shape_cast %get3A_94 : vector<112x28x128xf32> to vector<3136x128xf32>
    %get3A_96 = arith.constant 5 : index
    %get3A_97 = arith.constant 0 : index
    %get3A_98 = arith.constant 0 : index
    %get3A_99 = vector.load %arg2[%get3A_96, %get3A_97, %get3A_98] : memref<6x128x128xf32, #tpu.memory_space<vmem>>, vector<1x128x128xf32>
    %get3A_100 = vector.shape_cast %get3A_99 : vector<1x128x128xf32> to vector<128x128xf32>
    %dot_general3A_101 = arith.constant dense<0.000000e+00> : vector<3136x128xf32>
    %dot_general3A_102 = tpu.matmul %reshape3A_95, %get3A_100, %dot_general3A_101 {dimension_numbers = #tpu.dot_dimension_numbers<[1], [0], [0], [1], [0, 0, 1, 1], [], []>, transpose_lhs_hint = false} : vector<3136x128xf32>, vector<128x128xf32>, vector<3136x128xf32> -> vector<3136x128xf32>
    %add3A_103 = arith.addf %add3A_88, %dot_general3A_102 : vector<3136x128xf32>
    %get3A_104 = arith.constant 0 : index
    %get3A_105 = arith.constant 0 : index
    %get3A_106 = vector.load %arg3[%get3A_104, %get3A_105] : memref<1x128xf32, #tpu.memory_space<vmem>>, vector<1x128xf32>
    %add3A_107 = vector.broadcast %get3A_106 : vector<1x128xf32> to vector<3136x128xf32>
    %add3A_108 = arith.addf %add3A_103, %add3A_107 : vector<3136x128xf32>
    %max3A_109 = arith.constant 0.000000e+00 : f32
    %max3A_110 = vector.broadcast %max3A_109 : f32 to vector<3136x128xf32>
    %max3A_111 = arith.maximumf %add3A_108, %max3A_110 : vector<3136x128xf32>
    %reshape3A_112 = vector.shape_cast %max3A_111 : vector<3136x128xf32> to vector<112x28x128xf32>
    %swap3A_113 = arith.constant 0 : index
    %swap3A_114 = arith.constant 1 : index
    %swap3A_115 = arith.constant 1 : index
    %swap3A_116 = arith.constant 1 : index
    %swap3A_117 = arith.constant 0 : index
    %swap3A_118 = vector.load %arg4[%swap3A_113, %swap3A_114, %swap3A_115, %swap3A_116, %swap3A_117] : memref<1x115x2x30x128xf32, #tpu.memory_space<vmem>>, vector<1x112x1x28x128xf32>
    %swap3A_119 = vector.shape_cast %swap3A_118 : vector<1x112x1x28x128xf32> to vector<112x28x128xf32>
    %swap3A_120 = vector.shape_cast %reshape3A_112 : vector<112x28x128xf32> to vector<1x112x1x28x128xf32>
    tpu.vector_store %arg4[%swap3A_113, %swap3A_114, %swap3A_115, %swap3A_116, %swap3A_117], %swap3A_120 {strides = array<i32>} : memref<1x115x2x30x128xf32, #tpu.memory_space<vmem>>, vector<1x112x1x28x128xf32>,
    %broadcast_in_dim3A_121 = arith.constant 0.000000e+00 : f32
    %broadcast_in_dim3A_122 = vector.broadcast %broadcast_in_dim3A_121 : f32 to vector<2x30x128xf32>
    %swap3A_123 = arith.constant 0 : index
    %swap3A_124 = arith.constant 0 : index
    %swap3A_125 = arith.constant 0 : index
    %swap3A_126 = arith.constant 0 : index
    %swap3A_127 = arith.constant 0 : index
    %swap3A_128 = vector.load %arg4[%swap3A_123, %swap3A_124, %swap3A_125, %swap3A_126, %swap3A_127] : memref<1x115x2x30x128xf32, #tpu.memory_space<vmem>>, vector<1x1x2x30x128xf32>
    %swap3A_129 = vector.shape_cast %swap3A_128 : vector<1x1x2x30x128xf32> to vector<2x30x128xf32>
    %swap3A_130 = vector.shape_cast %broadcast_in_dim3A_122 : vector<2x30x128xf32> to vector<1x1x2x30x128xf32>
    tpu.vector_store %arg4[%swap3A_123, %swap3A_124, %swap3A_125, %swap3A_126, %swap3A_127], %swap3A_130 {strides = array<i32>} : memref<1x115x2x30x128xf32, #tpu.memory_space<vmem>>, vector<1x1x2x30x128xf32>,
    %broadcast_in_dim3A_131 = arith.constant 0.000000e+00 : f32
    %broadcast_in_dim3A_132 = vector.broadcast %broadcast_in_dim3A_131 : f32 to vector<2x30x128xf32>
    %swap3A_133 = arith.constant 0 : index
    %swap3A_134 = arith.constant 113 : index
    %swap3A_135 = arith.constant 0 : index
    %swap3A_136 = arith.constant 0 : index
    %swap3A_137 = arith.constant 0 : index
    %swap3A_138 = vector.load %arg4[%swap3A_133, %swap3A_134, %swap3A_135, %swap3A_136, %swap3A_137] : memref<1x115x2x30x128xf32, #tpu.memory_space<vmem>>, vector<1x1x2x30x128xf32>
    %swap3A_139 = vector.shape_cast %swap3A_138 : vector<1x1x2x30x128xf32> to vector<2x30x128xf32>
    %swap3A_140 = vector.shape_cast %broadcast_in_dim3A_132 : vector<2x30x128xf32> to vector<1x1x2x30x128xf32>
    tpu.vector_store %arg4[%swap3A_133, %swap3A_134, %swap3A_135, %swap3A_136, %swap3A_137], %swap3A_140 {strides = array<i32>} : memref<1x115x2x30x128xf32, #tpu.memory_space<vmem>>, vector<1x1x2x30x128xf32>,
    %broadcast_in_dim3A_141 = arith.constant 0.000000e+00 : f32
    %broadcast_in_dim3A_142 = vector.broadcast %broadcast_in_dim3A_141 : f32 to vector<2x30x128xf32>
    %swap3A_143 = arith.constant 0 : index
    %swap3A_144 = arith.constant 114 : index
    %swap3A_145 = arith.constant 0 : index
    %swap3A_146 = arith.constant 0 : index
    %swap3A_147 = arith.constant 0 : index
    %swap3A_148 = vector.load %arg4[%swap3A_143, %swap3A_144, %swap3A_145, %swap3A_146, %swap3A_147] : memref<1x115x2x30x128xf32, #tpu.memory_space<vmem>>, vector<1x1x2x30x128xf32>
    %swap3A_149 = vector.shape_cast %swap3A_148 : vector<1x1x2x30x128xf32> to vector<2x30x128xf32>
    %swap3A_150 = vector.shape_cast %broadcast_in_dim3A_142 : vector<2x30x128xf32> to vector<1x1x2x30x128xf32>
    tpu.vector_store %arg4[%swap3A_143, %swap3A_144, %swap3A_145, %swap3A_146, %swap3A_147], %swap3A_150 {strides = array<i32>} : memref<1x115x2x30x128xf32, #tpu.memory_space<vmem>>, vector<1x1x2x30x128xf32>,
    %broadcast_in_dim3A_151 = arith.constant 0.000000e+00 : f32
    %broadcast_in_dim3A_152 = vector.broadcast %broadcast_in_dim3A_151 : f32 to vector<115x2x128xf32>
    %swap3A_153 = arith.constant 0 : index
    %swap3A_154 = arith.constant 0 : index
    %swap3A_155 = arith.constant 0 : index
    %swap3A_156 = arith.constant 0 : index
    %swap3A_157 = arith.constant 0 : index
    %swap3A_158 = vector.load %arg4[%swap3A_153, %swap3A_154, %swap3A_155, %swap3A_156, %swap3A_157] : memref<1x115x2x30x128xf32, #tpu.memory_space<vmem>>, vector<1x115x2x1x128xf32>
    %swap3A_159 = vector.shape_cast %swap3A_158 : vector<1x115x2x1x128xf32> to vector<115x2x128xf32>
    %swap3A_160 = vector.shape_cast %broadcast_in_dim3A_152 : vector<115x2x128xf32> to vector<1x115x2x1x128xf32>
    tpu.vector_store %arg4[%swap3A_153, %swap3A_154, %swap3A_155, %swap3A_156, %swap3A_157], %swap3A_160 {strides = array<i32>} : memref<1x115x2x30x128xf32, #tpu.memory_space<vmem>>, vector<1x115x2x1x128xf32>,
    %broadcast_in_dim3A_161 = arith.constant 0.000000e+00 : f32
    %broadcast_in_dim3A_162 = vector.broadcast %broadcast_in_dim3A_161 : f32 to vector<115x2x128xf32>
    %swap3A_163 = arith.constant 0 : index
    %swap3A_164 = arith.constant 0 : index
    %swap3A_165 = arith.constant 0 : index
    %swap3A_166 = arith.constant 29 : index
    %swap3A_167 = arith.constant 0 : index
    %swap3A_168 = vector.load %arg4[%swap3A_163, %swap3A_164, %swap3A_165, %swap3A_166, %swap3A_167] : memref<1x115x2x30x128xf32, #tpu.memory_space<vmem>>, vector<1x115x2x1x128xf32>
    %swap3A_169 = vector.shape_cast %swap3A_168 : vector<1x115x2x1x128xf32> to vector<115x2x128xf32>
    %swap3A_170 = vector.shape_cast %broadcast_in_dim3A_162 : vector<115x2x128xf32> to vector<1x115x2x1x128xf32>
    tpu.vector_store %arg4[%swap3A_163, %swap3A_164, %swap3A_165, %swap3A_166, %swap3A_167], %swap3A_170 {strides = array<i32>} : memref<1x115x2x30x128xf32, #tpu.memory_space<vmem>>, vector<1x115x2x1x128xf32>,
    return
  }
  func.func @transform_0(%arg0: i32) -> (i32, i32, i32, i32) {
    %c0_i32 = arith.constant 0 : i32
    %c0_i32_0 = arith.constant 0 : i32
    %c0_i32_1 = arith.constant 0 : i32
    %c0_i32_2 = arith.constant 0 : i32
    return %arg0, %c0_i32, %c0_i32_0, %c0_i32_1 : i32, i32, i32, i32
  }
  func.func @transform_1(%arg0: i32) -> (i32, i32, i32) {
    %c0_i32 = arith.constant 0 : i32
    %c0_i32_0 = arith.constant 0 : i32
    %c0_i32_1 = arith.constant 0 : i32
    %c0_i32_2 = arith.constant 0 : i32
    return %c0_i32, %c0_i32_0, %c0_i32_1 : i32, i32, i32
  }
  func.func @transform_2(%arg0: i32) -> (i32, i32) {
    %c0_i32 = arith.constant 0 : i32
    %c0_i32_0 = arith.constant 0 : i32
    %c0_i32_1 = arith.constant 0 : i32
    return %c0_i32, %c0_i32_0 : i32, i32
  }
  func.func @transform_3(%arg0: i32) -> (i32, i32, i32, i32, i32) {
    %c0_i32 = arith.constant 0 : i32
    %c0_i32_0 = arith.constant 0 : i32
    %c0_i32_1 = arith.constant 0 : i32
    %c0_i32_2 = arith.constant 0 : i32
    %c0_i32_3 = arith.constant 0 : i32
    return %arg0, %c0_i32, %c0_i32_0, %c0_i32_1, %c0_i32_2 : i32, i32, i32, i32, i32
  }
}

module attributes {stable_mosaic.version = 14 : i64} {
  func.func @body(%arg0: i32, %arg1: memref<1x115x2x30x128xf32, #tpu.memory_space<vmem>>, %arg2: memref<9x128x24xf32, #tpu.memory_space<vmem>>, %arg3: memref<1x24xf32, #tpu.memory_space<vmem>>, %arg4: memref<1x112x2x28x24xf32, #tpu.memory_space<vmem>>, %arg5: memref<1x112x2x28x24xf32, #tpu.memory_space<vmem>>, %arg6: memref<1x1xf32, #tpu.memory_space<smem>>) attributes {dimension_semantics = [#tpu.dimension_semantics<arbitrary>], iteration_bounds = array<i64: 8>, scalar_prefetch = 0 : i64, scratch_operands = 0 : i64, tpu.core_type = #tpu.core_type<tc>, window_params = [{transform_indices = @transform_0, window_bounds = array<i64: 1, 115, 2, 30, 128>}, {pipeline_mode = #tpu.pipeline_mode<synchronous>, transform_indices = @transform_1, window_bounds = array<i64: 9, 128, 24>}, {pipeline_mode = #tpu.pipeline_mode<synchronous>, transform_indices = @transform_2, window_bounds = array<i64: 1, 24>}, {transform_indices = @transform_3, window_bounds = array<i64: 1, 112, 2, 28, 24>}, {transform_indices = @transform_4, window_bounds = array<i64: 1, 112, 2, 28, 24>}, {transform_indices = @transform_5, window_bounds = array<i64: 1, 1>}]} {
    %eq3A = arith.constant 0 : i32
    %eq3A_0 = arith.cmpi eq, %arg0, %eq3A : i32
    %convert_element_type3A = arith.extui %eq3A_0 : i1 to i32
    %cond3A = arith.constant 0 : i32
    %cond3A_1 = arith.cmpi ne, %convert_element_type3A, %cond3A : i32
    scf.if %cond3A_1 {
      %swap3A_357 = arith.constant 0.000000e+00 : f32
      %swap3A_358 = arith.constant 0 : index
      %swap3A_359 = arith.constant 0 : index
      %swap3A_360 = memref.load %arg6[%swap3A_358, %swap3A_359] : memref<1x1xf32, #tpu.memory_space<smem>>
      memref.store %swap3A_357, %arg6[%swap3A_358, %swap3A_359] : memref<1x1xf32, #tpu.memory_space<smem>>
    } else {
    }
    %broadcast_in_dim3A = arith.constant 0.000000e+00 : f32
    %broadcast_in_dim3A_2 = vector.broadcast %broadcast_in_dim3A : f32 to vector<3136x24xf32>
    %get3A = arith.constant 0 : index
    %get3A_3 = arith.constant 0 : index
    %get3A_4 = arith.constant 1 : index
    %get3A_5 = arith.constant 0 : index
    %get3A_6 = arith.constant 0 : index
    %get3A_7 = vector.load %arg1[%get3A, %get3A_3, %get3A_4, %get3A_5, %get3A_6] : memref<1x115x2x30x128xf32, #tpu.memory_space<vmem>>, vector<1x112x1x28x128xf32>
    %get3A_8 = vector.shape_cast %get3A_7 : vector<1x112x1x28x128xf32> to vector<112x28x128xf32>
    %reshape3A = vector.shape_cast %get3A_8 : vector<112x28x128xf32> to vector<3136x128xf32>
    %get3A_9 = arith.constant 0 : index
    %get3A_10 = arith.constant 0 : index
    %get3A_11 = arith.constant 0 : index
    %get3A_12 = vector.load %arg2[%get3A_9, %get3A_10, %get3A_11] : memref<9x128x24xf32, #tpu.memory_space<vmem>>, vector<1x128x24xf32>
    %get3A_13 = vector.shape_cast %get3A_12 : vector<1x128x24xf32> to vector<128x24xf32>
    %dot_general3A = arith.constant dense<0.000000e+00> : vector<3136x24xf32>
    %dot_general3A_14 = tpu.matmul %reshape3A, %get3A_13, %dot_general3A {dimension_numbers = #tpu.dot_dimension_numbers<[1], [0], [0], [1], [0, 0, 1, 1], [], []>, transpose_lhs_hint = false} : vector<3136x128xf32>, vector<128x24xf32>, vector<3136x24xf32> -> vector<3136x24xf32>
    %add3A = arith.addf %broadcast_in_dim3A_2, %dot_general3A_14 : vector<3136x24xf32>
    %get3A_15 = arith.constant 0 : index
    %get3A_16 = arith.constant 0 : index
    %get3A_17 = arith.constant 1 : index
    %get3A_18 = arith.constant 1 : index
    %get3A_19 = arith.constant 0 : index
    %get3A_20 = vector.load %arg1[%get3A_15, %get3A_16, %get3A_17, %get3A_18, %get3A_19] : memref<1x115x2x30x128xf32, #tpu.memory_space<vmem>>, vector<1x112x1x28x128xf32>
    %get3A_21 = vector.shape_cast %get3A_20 : vector<1x112x1x28x128xf32> to vector<112x28x128xf32>
    %reshape3A_22 = vector.shape_cast %get3A_21 : vector<112x28x128xf32> to vector<3136x128xf32>
    %get3A_23 = arith.constant 1 : index
    %get3A_24 = arith.constant 0 : index
    %get3A_25 = arith.constant 0 : index
    %get3A_26 = vector.load %arg2[%get3A_23, %get3A_24, %get3A_25] : memref<9x128x24xf32, #tpu.memory_space<vmem>>, vector<1x128x24xf32>
    %get3A_27 = vector.shape_cast %get3A_26 : vector<1x128x24xf32> to vector<128x24xf32>
    %dot_general3A_28 = arith.constant dense<0.000000e+00> : vector<3136x24xf32>
    %dot_general3A_29 = tpu.matmul %reshape3A_22, %get3A_27, %dot_general3A_28 {dimension_numbers = #tpu.dot_dimension_numbers<[1], [0], [0], [1], [0, 0, 1, 1], [], []>, transpose_lhs_hint = false} : vector<3136x128xf32>, vector<128x24xf32>, vector<3136x24xf32> -> vector<3136x24xf32>
    %add3A_30 = arith.addf %add3A, %dot_general3A_29 : vector<3136x24xf32>
    %get3A_31 = arith.constant 0 : index
    %get3A_32 = arith.constant 0 : index
    %get3A_33 = arith.constant 1 : index
    %get3A_34 = arith.constant 2 : index
    %get3A_35 = arith.constant 0 : index
    %get3A_36 = vector.load %arg1[%get3A_31, %get3A_32, %get3A_33, %get3A_34, %get3A_35] : memref<1x115x2x30x128xf32, #tpu.memory_space<vmem>>, vector<1x112x1x28x128xf32>
    %get3A_37 = vector.shape_cast %get3A_36 : vector<1x112x1x28x128xf32> to vector<112x28x128xf32>
    %reshape3A_38 = vector.shape_cast %get3A_37 : vector<112x28x128xf32> to vector<3136x128xf32>
    %get3A_39 = arith.constant 2 : index
    %get3A_40 = arith.constant 0 : index
    %get3A_41 = arith.constant 0 : index
    %get3A_42 = vector.load %arg2[%get3A_39, %get3A_40, %get3A_41] : memref<9x128x24xf32, #tpu.memory_space<vmem>>, vector<1x128x24xf32>
    %get3A_43 = vector.shape_cast %get3A_42 : vector<1x128x24xf32> to vector<128x24xf32>
    %dot_general3A_44 = arith.constant dense<0.000000e+00> : vector<3136x24xf32>
    %dot_general3A_45 = tpu.matmul %reshape3A_38, %get3A_43, %dot_general3A_44 {dimension_numbers = #tpu.dot_dimension_numbers<[1], [0], [0], [1], [0, 0, 1, 1], [], []>, transpose_lhs_hint = false} : vector<3136x128xf32>, vector<128x24xf32>, vector<3136x24xf32> -> vector<3136x24xf32>
    %add3A_46 = arith.addf %add3A_30, %dot_general3A_45 : vector<3136x24xf32>
    %get3A_47 = arith.constant 0 : index
    %get3A_48 = arith.constant 1 : index
    %get3A_49 = arith.constant 0 : index
    %get3A_50 = arith.constant 0 : index
    %get3A_51 = arith.constant 0 : index
    %get3A_52 = vector.load %arg1[%get3A_47, %get3A_48, %get3A_49, %get3A_50, %get3A_51] : memref<1x115x2x30x128xf32, #tpu.memory_space<vmem>>, vector<1x112x1x28x128xf32>
    %get3A_53 = vector.shape_cast %get3A_52 : vector<1x112x1x28x128xf32> to vector<112x28x128xf32>
    %reshape3A_54 = vector.shape_cast %get3A_53 : vector<112x28x128xf32> to vector<3136x128xf32>
    %get3A_55 = arith.constant 3 : index
    %get3A_56 = arith.constant 0 : index
    %get3A_57 = arith.constant 0 : index
    %get3A_58 = vector.load %arg2[%get3A_55, %get3A_56, %get3A_57] : memref<9x128x24xf32, #tpu.memory_space<vmem>>, vector<1x128x24xf32>
    %get3A_59 = vector.shape_cast %get3A_58 : vector<1x128x24xf32> to vector<128x24xf32>
    %dot_general3A_60 = arith.constant dense<0.000000e+00> : vector<3136x24xf32>
    %dot_general3A_61 = tpu.matmul %reshape3A_54, %get3A_59, %dot_general3A_60 {dimension_numbers = #tpu.dot_dimension_numbers<[1], [0], [0], [1], [0, 0, 1, 1], [], []>, transpose_lhs_hint = false} : vector<3136x128xf32>, vector<128x24xf32>, vector<3136x24xf32> -> vector<3136x24xf32>
    %add3A_62 = arith.addf %add3A_46, %dot_general3A_61 : vector<3136x24xf32>
    %get3A_63 = arith.constant 0 : index
    %get3A_64 = arith.constant 1 : index
    %get3A_65 = arith.constant 0 : index
    %get3A_66 = arith.constant 1 : index
    %get3A_67 = arith.constant 0 : index
    %get3A_68 = vector.load %arg1[%get3A_63, %get3A_64, %get3A_65, %get3A_66, %get3A_67] : memref<1x115x2x30x128xf32, #tpu.memory_space<vmem>>, vector<1x112x1x28x128xf32>
    %get3A_69 = vector.shape_cast %get3A_68 : vector<1x112x1x28x128xf32> to vector<112x28x128xf32>
    %reshape3A_70 = vector.shape_cast %get3A_69 : vector<112x28x128xf32> to vector<3136x128xf32>
    %get3A_71 = arith.constant 4 : index
    %get3A_72 = arith.constant 0 : index
    %get3A_73 = arith.constant 0 : index
    %get3A_74 = vector.load %arg2[%get3A_71, %get3A_72, %get3A_73] : memref<9x128x24xf32, #tpu.memory_space<vmem>>, vector<1x128x24xf32>
    %get3A_75 = vector.shape_cast %get3A_74 : vector<1x128x24xf32> to vector<128x24xf32>
    %dot_general3A_76 = arith.constant dense<0.000000e+00> : vector<3136x24xf32>
    %dot_general3A_77 = tpu.matmul %reshape3A_70, %get3A_75, %dot_general3A_76 {dimension_numbers = #tpu.dot_dimension_numbers<[1], [0], [0], [1], [0, 0, 1, 1], [], []>, transpose_lhs_hint = false} : vector<3136x128xf32>, vector<128x24xf32>, vector<3136x24xf32> -> vector<3136x24xf32>
    %add3A_78 = arith.addf %add3A_62, %dot_general3A_77 : vector<3136x24xf32>
    %get3A_79 = arith.constant 0 : index
    %get3A_80 = arith.constant 1 : index
    %get3A_81 = arith.constant 0 : index
    %get3A_82 = arith.constant 2 : index
    %get3A_83 = arith.constant 0 : index
    %get3A_84 = vector.load %arg1[%get3A_79, %get3A_80, %get3A_81, %get3A_82, %get3A_83] : memref<1x115x2x30x128xf32, #tpu.memory_space<vmem>>, vector<1x112x1x28x128xf32>
    %get3A_85 = vector.shape_cast %get3A_84 : vector<1x112x1x28x128xf32> to vector<112x28x128xf32>
    %reshape3A_86 = vector.shape_cast %get3A_85 : vector<112x28x128xf32> to vector<3136x128xf32>
    %get3A_87 = arith.constant 5 : index
    %get3A_88 = arith.constant 0 : index
    %get3A_89 = arith.constant 0 : index
    %get3A_90 = vector.load %arg2[%get3A_87, %get3A_88, %get3A_89] : memref<9x128x24xf32, #tpu.memory_space<vmem>>, vector<1x128x24xf32>
    %get3A_91 = vector.shape_cast %get3A_90 : vector<1x128x24xf32> to vector<128x24xf32>
    %dot_general3A_92 = arith.constant dense<0.000000e+00> : vector<3136x24xf32>
    %dot_general3A_93 = tpu.matmul %reshape3A_86, %get3A_91, %dot_general3A_92 {dimension_numbers = #tpu.dot_dimension_numbers<[1], [0], [0], [1], [0, 0, 1, 1], [], []>, transpose_lhs_hint = false} : vector<3136x128xf32>, vector<128x24xf32>, vector<3136x24xf32> -> vector<3136x24xf32>
    %add3A_94 = arith.addf %add3A_78, %dot_general3A_93 : vector<3136x24xf32>
    %get3A_95 = arith.constant 0 : index
    %get3A_96 = arith.constant 1 : index
    %get3A_97 = arith.constant 1 : index
    %get3A_98 = arith.constant 0 : index
    %get3A_99 = arith.constant 0 : index
    %get3A_100 = vector.load %arg1[%get3A_95, %get3A_96, %get3A_97, %get3A_98, %get3A_99] : memref<1x115x2x30x128xf32, #tpu.memory_space<vmem>>, vector<1x112x1x28x128xf32>
    %get3A_101 = vector.shape_cast %get3A_100 : vector<1x112x1x28x128xf32> to vector<112x28x128xf32>
    %reshape3A_102 = vector.shape_cast %get3A_101 : vector<112x28x128xf32> to vector<3136x128xf32>
    %get3A_103 = arith.constant 6 : index
    %get3A_104 = arith.constant 0 : index
    %get3A_105 = arith.constant 0 : index
    %get3A_106 = vector.load %arg2[%get3A_103, %get3A_104, %get3A_105] : memref<9x128x24xf32, #tpu.memory_space<vmem>>, vector<1x128x24xf32>
    %get3A_107 = vector.shape_cast %get3A_106 : vector<1x128x24xf32> to vector<128x24xf32>
    %dot_general3A_108 = arith.constant dense<0.000000e+00> : vector<3136x24xf32>
    %dot_general3A_109 = tpu.matmul %reshape3A_102, %get3A_107, %dot_general3A_108 {dimension_numbers = #tpu.dot_dimension_numbers<[1], [0], [0], [1], [0, 0, 1, 1], [], []>, transpose_lhs_hint = false} : vector<3136x128xf32>, vector<128x24xf32>, vector<3136x24xf32> -> vector<3136x24xf32>
    %add3A_110 = arith.addf %add3A_94, %dot_general3A_109 : vector<3136x24xf32>
    %get3A_111 = arith.constant 0 : index
    %get3A_112 = arith.constant 1 : index
    %get3A_113 = arith.constant 1 : index
    %get3A_114 = arith.constant 1 : index
    %get3A_115 = arith.constant 0 : index
    %get3A_116 = vector.load %arg1[%get3A_111, %get3A_112, %get3A_113, %get3A_114, %get3A_115] : memref<1x115x2x30x128xf32, #tpu.memory_space<vmem>>, vector<1x112x1x28x128xf32>
    %get3A_117 = vector.shape_cast %get3A_116 : vector<1x112x1x28x128xf32> to vector<112x28x128xf32>
    %reshape3A_118 = vector.shape_cast %get3A_117 : vector<112x28x128xf32> to vector<3136x128xf32>
    %get3A_119 = arith.constant 7 : index
    %get3A_120 = arith.constant 0 : index
    %get3A_121 = arith.constant 0 : index
    %get3A_122 = vector.load %arg2[%get3A_119, %get3A_120, %get3A_121] : memref<9x128x24xf32, #tpu.memory_space<vmem>>, vector<1x128x24xf32>
    %get3A_123 = vector.shape_cast %get3A_122 : vector<1x128x24xf32> to vector<128x24xf32>
    %dot_general3A_124 = arith.constant dense<0.000000e+00> : vector<3136x24xf32>
    %dot_general3A_125 = tpu.matmul %reshape3A_118, %get3A_123, %dot_general3A_124 {dimension_numbers = #tpu.dot_dimension_numbers<[1], [0], [0], [1], [0, 0, 1, 1], [], []>, transpose_lhs_hint = false} : vector<3136x128xf32>, vector<128x24xf32>, vector<3136x24xf32> -> vector<3136x24xf32>
    %add3A_126 = arith.addf %add3A_110, %dot_general3A_125 : vector<3136x24xf32>
    %get3A_127 = arith.constant 0 : index
    %get3A_128 = arith.constant 1 : index
    %get3A_129 = arith.constant 1 : index
    %get3A_130 = arith.constant 2 : index
    %get3A_131 = arith.constant 0 : index
    %get3A_132 = vector.load %arg1[%get3A_127, %get3A_128, %get3A_129, %get3A_130, %get3A_131] : memref<1x115x2x30x128xf32, #tpu.memory_space<vmem>>, vector<1x112x1x28x128xf32>
    %get3A_133 = vector.shape_cast %get3A_132 : vector<1x112x1x28x128xf32> to vector<112x28x128xf32>
    %reshape3A_134 = vector.shape_cast %get3A_133 : vector<112x28x128xf32> to vector<3136x128xf32>
    %get3A_135 = arith.constant 8 : index
    %get3A_136 = arith.constant 0 : index
    %get3A_137 = arith.constant 0 : index
    %get3A_138 = vector.load %arg2[%get3A_135, %get3A_136, %get3A_137] : memref<9x128x24xf32, #tpu.memory_space<vmem>>, vector<1x128x24xf32>
    %get3A_139 = vector.shape_cast %get3A_138 : vector<1x128x24xf32> to vector<128x24xf32>
    %dot_general3A_140 = arith.constant dense<0.000000e+00> : vector<3136x24xf32>
    %dot_general3A_141 = tpu.matmul %reshape3A_134, %get3A_139, %dot_general3A_140 {dimension_numbers = #tpu.dot_dimension_numbers<[1], [0], [0], [1], [0, 0, 1, 1], [], []>, transpose_lhs_hint = false} : vector<3136x128xf32>, vector<128x24xf32>, vector<3136x24xf32> -> vector<3136x24xf32>
    %add3A_142 = arith.addf %add3A_126, %dot_general3A_141 : vector<3136x24xf32>
    %get3A_143 = arith.constant 0 : index
    %get3A_144 = arith.constant 0 : index
    %get3A_145 = vector.load %arg3[%get3A_143, %get3A_144] : memref<1x24xf32, #tpu.memory_space<vmem>>, vector<1x24xf32>
    %add3A_146 = vector.broadcast %get3A_145 : vector<1x24xf32> to vector<3136x24xf32>
    %add3A_147 = arith.addf %add3A_142, %add3A_146 : vector<3136x24xf32>
    %reshape3A_148 = vector.shape_cast %add3A_147 : vector<3136x24xf32> to vector<112x28x24xf32>
    %swap3A = arith.constant 0 : index
    %swap3A_149 = arith.constant 0 : index
    %swap3A_150 = arith.constant 0 : index
    %swap3A_151 = arith.constant 0 : index
    %swap3A_152 = arith.constant 0 : index
    %swap3A_153 = vector.load %arg5[%swap3A, %swap3A_149, %swap3A_150, %swap3A_151, %swap3A_152] : memref<1x112x2x28x24xf32, #tpu.memory_space<vmem>>, vector<1x112x1x28x24xf32>
    %swap3A_154 = vector.shape_cast %swap3A_153 : vector<1x112x1x28x24xf32> to vector<112x28x24xf32>
    %swap3A_155 = vector.shape_cast %reshape3A_148 : vector<112x28x24xf32> to vector<1x112x1x28x24xf32>
    tpu.vector_store %arg5[%swap3A, %swap3A_149, %swap3A_150, %swap3A_151, %swap3A_152], %swap3A_155 {strides = array<i32>} : memref<1x112x2x28x24xf32, #tpu.memory_space<vmem>>, vector<1x112x1x28x24xf32>,
    %get3A_156 = arith.constant 0 : index
    %get3A_157 = arith.constant 0 : index
    %get3A_158 = arith.constant 0 : index
    %get3A_159 = arith.constant 0 : index
    %get3A_160 = arith.constant 0 : index
    %get3A_161 = vector.load %arg4[%get3A_156, %get3A_157, %get3A_158, %get3A_159, %get3A_160] : memref<1x112x2x28x24xf32, #tpu.memory_space<vmem>>, vector<1x112x1x28x24xf32>
    %get3A_162 = vector.shape_cast %get3A_161 : vector<1x112x1x28x24xf32> to vector<112x28x24xf32>
    %reshape3A_163 = vector.shape_cast %get3A_162 : vector<112x28x24xf32> to vector<3136x24xf32>
    %sub3A = arith.subf %add3A_147, %reshape3A_163 : vector<3136x24xf32>
    %get3A_164 = arith.constant 0 : index
    %get3A_165 = arith.constant 0 : index
    %get3A_166 = memref.load %arg6[%get3A_164, %get3A_165] : memref<1x1xf32, #tpu.memory_space<smem>>
    %mul3A = arith.mulf %sub3A, %sub3A : vector<3136x24xf32>
    %reduce_sum3A = vector.shape_cast %mul3A : vector<3136x24xf32> to vector<1x3136x24xf32>
    %reduce_sum3A_167 = arith.constant dense<0.000000e+00> : vector<1xf32>
    %reduce_sum3A_168 = vector.multi_reduction <add>, %reduce_sum3A, %reduce_sum3A_167 [1, 2] : vector<1x3136x24xf32> to vector<1xf32>
    %reduce_sum3A_169 = vector.shape_cast %reduce_sum3A_168 : vector<1xf32> to vector<1x1x1xf32>
    %reduce_sum3A_170 = vector.extract %reduce_sum3A_169[0, 0, 0] : f32 from vector<1x1x1xf32>
    %add3A_171 = arith.addf %get3A_166, %reduce_sum3A_170 : f32
    %swap3A_172 = arith.constant 0 : index
    %swap3A_173 = arith.constant 0 : index
    %swap3A_174 = memref.load %arg6[%swap3A_172, %swap3A_173] : memref<1x1xf32, #tpu.memory_space<smem>>
    memref.store %add3A_171, %arg6[%swap3A_172, %swap3A_173] : memref<1x1xf32, #tpu.memory_space<smem>>
    %broadcast_in_dim3A_175 = arith.constant 0.000000e+00 : f32
    %broadcast_in_dim3A_176 = vector.broadcast %broadcast_in_dim3A_175 : f32 to vector<3136x24xf32>
    %get3A_177 = arith.constant 0 : index
    %get3A_178 = arith.constant 1 : index
    %get3A_179 = arith.constant 0 : index
    %get3A_180 = arith.constant 0 : index
    %get3A_181 = arith.constant 0 : index
    %get3A_182 = vector.load %arg1[%get3A_177, %get3A_178, %get3A_179, %get3A_180, %get3A_181] : memref<1x115x2x30x128xf32, #tpu.memory_space<vmem>>, vector<1x112x1x28x128xf32>
    %get3A_183 = vector.shape_cast %get3A_182 : vector<1x112x1x28x128xf32> to vector<112x28x128xf32>
    %reshape3A_184 = vector.shape_cast %get3A_183 : vector<112x28x128xf32> to vector<3136x128xf32>
    %get3A_185 = arith.constant 0 : index
    %get3A_186 = arith.constant 0 : index
    %get3A_187 = arith.constant 0 : index
    %get3A_188 = vector.load %arg2[%get3A_185, %get3A_186, %get3A_187] : memref<9x128x24xf32, #tpu.memory_space<vmem>>, vector<1x128x24xf32>
    %get3A_189 = vector.shape_cast %get3A_188 : vector<1x128x24xf32> to vector<128x24xf32>
    %dot_general3A_190 = arith.constant dense<0.000000e+00> : vector<3136x24xf32>
    %dot_general3A_191 = tpu.matmul %reshape3A_184, %get3A_189, %dot_general3A_190 {dimension_numbers = #tpu.dot_dimension_numbers<[1], [0], [0], [1], [0, 0, 1, 1], [], []>, transpose_lhs_hint = false} : vector<3136x128xf32>, vector<128x24xf32>, vector<3136x24xf32> -> vector<3136x24xf32>
    %add3A_192 = arith.addf %broadcast_in_dim3A_176, %dot_general3A_191 : vector<3136x24xf32>
    %get3A_193 = arith.constant 0 : index
    %get3A_194 = arith.constant 1 : index
    %get3A_195 = arith.constant 0 : index
    %get3A_196 = arith.constant 1 : index
    %get3A_197 = arith.constant 0 : index
    %get3A_198 = vector.load %arg1[%get3A_193, %get3A_194, %get3A_195, %get3A_196, %get3A_197] : memref<1x115x2x30x128xf32, #tpu.memory_space<vmem>>, vector<1x112x1x28x128xf32>
    %get3A_199 = vector.shape_cast %get3A_198 : vector<1x112x1x28x128xf32> to vector<112x28x128xf32>
    %reshape3A_200 = vector.shape_cast %get3A_199 : vector<112x28x128xf32> to vector<3136x128xf32>
    %get3A_201 = arith.constant 1 : index
    %get3A_202 = arith.constant 0 : index
    %get3A_203 = arith.constant 0 : index
    %get3A_204 = vector.load %arg2[%get3A_201, %get3A_202, %get3A_203] : memref<9x128x24xf32, #tpu.memory_space<vmem>>, vector<1x128x24xf32>
    %get3A_205 = vector.shape_cast %get3A_204 : vector<1x128x24xf32> to vector<128x24xf32>
    %dot_general3A_206 = arith.constant dense<0.000000e+00> : vector<3136x24xf32>
    %dot_general3A_207 = tpu.matmul %reshape3A_200, %get3A_205, %dot_general3A_206 {dimension_numbers = #tpu.dot_dimension_numbers<[1], [0], [0], [1], [0, 0, 1, 1], [], []>, transpose_lhs_hint = false} : vector<3136x128xf32>, vector<128x24xf32>, vector<3136x24xf32> -> vector<3136x24xf32>
    %add3A_208 = arith.addf %add3A_192, %dot_general3A_207 : vector<3136x24xf32>
    %get3A_209 = arith.constant 0 : index
    %get3A_210 = arith.constant 1 : index
    %get3A_211 = arith.constant 0 : index
    %get3A_212 = arith.constant 2 : index
    %get3A_213 = arith.constant 0 : index
    %get3A_214 = vector.load %arg1[%get3A_209, %get3A_210, %get3A_211, %get3A_212, %get3A_213] : memref<1x115x2x30x128xf32, #tpu.memory_space<vmem>>, vector<1x112x1x28x128xf32>
    %get3A_215 = vector.shape_cast %get3A_214 : vector<1x112x1x28x128xf32> to vector<112x28x128xf32>
    %reshape3A_216 = vector.shape_cast %get3A_215 : vector<112x28x128xf32> to vector<3136x128xf32>
    %get3A_217 = arith.constant 2 : index
    %get3A_218 = arith.constant 0 : index
    %get3A_219 = arith.constant 0 : index
    %get3A_220 = vector.load %arg2[%get3A_217, %get3A_218, %get3A_219] : memref<9x128x24xf32, #tpu.memory_space<vmem>>, vector<1x128x24xf32>
    %get3A_221 = vector.shape_cast %get3A_220 : vector<1x128x24xf32> to vector<128x24xf32>
    %dot_general3A_222 = arith.constant dense<0.000000e+00> : vector<3136x24xf32>
    %dot_general3A_223 = tpu.matmul %reshape3A_216, %get3A_221, %dot_general3A_222 {dimension_numbers = #tpu.dot_dimension_numbers<[1], [0], [0], [1], [0, 0, 1, 1], [], []>, transpose_lhs_hint = false} : vector<3136x128xf32>, vector<128x24xf32>, vector<3136x24xf32> -> vector<3136x24xf32>
    %add3A_224 = arith.addf %add3A_208, %dot_general3A_223 : vector<3136x24xf32>
    %get3A_225 = arith.constant 0 : index
    %get3A_226 = arith.constant 1 : index
    %get3A_227 = arith.constant 1 : index
    %get3A_228 = arith.constant 0 : index
    %get3A_229 = arith.constant 0 : index
    %get3A_230 = vector.load %arg1[%get3A_225, %get3A_226, %get3A_227, %get3A_228, %get3A_229] : memref<1x115x2x30x128xf32, #tpu.memory_space<vmem>>, vector<1x112x1x28x128xf32>
    %get3A_231 = vector.shape_cast %get3A_230 : vector<1x112x1x28x128xf32> to vector<112x28x128xf32>
    %reshape3A_232 = vector.shape_cast %get3A_231 : vector<112x28x128xf32> to vector<3136x128xf32>
    %get3A_233 = arith.constant 3 : index
    %get3A_234 = arith.constant 0 : index
    %get3A_235 = arith.constant 0 : index
    %get3A_236 = vector.load %arg2[%get3A_233, %get3A_234, %get3A_235] : memref<9x128x24xf32, #tpu.memory_space<vmem>>, vector<1x128x24xf32>
    %get3A_237 = vector.shape_cast %get3A_236 : vector<1x128x24xf32> to vector<128x24xf32>
    %dot_general3A_238 = arith.constant dense<0.000000e+00> : vector<3136x24xf32>
    %dot_general3A_239 = tpu.matmul %reshape3A_232, %get3A_237, %dot_general3A_238 {dimension_numbers = #tpu.dot_dimension_numbers<[1], [0], [0], [1], [0, 0, 1, 1], [], []>, transpose_lhs_hint = false} : vector<3136x128xf32>, vector<128x24xf32>, vector<3136x24xf32> -> vector<3136x24xf32>
    %add3A_240 = arith.addf %add3A_224, %dot_general3A_239 : vector<3136x24xf32>
    %get3A_241 = arith.constant 0 : index
    %get3A_242 = arith.constant 1 : index
    %get3A_243 = arith.constant 1 : index
    %get3A_244 = arith.constant 1 : index
    %get3A_245 = arith.constant 0 : index
    %get3A_246 = vector.load %arg1[%get3A_241, %get3A_242, %get3A_243, %get3A_244, %get3A_245] : memref<1x115x2x30x128xf32, #tpu.memory_space<vmem>>, vector<1x112x1x28x128xf32>
    %get3A_247 = vector.shape_cast %get3A_246 : vector<1x112x1x28x128xf32> to vector<112x28x128xf32>
    %reshape3A_248 = vector.shape_cast %get3A_247 : vector<112x28x128xf32> to vector<3136x128xf32>
    %get3A_249 = arith.constant 4 : index
    %get3A_250 = arith.constant 0 : index
    %get3A_251 = arith.constant 0 : index
    %get3A_252 = vector.load %arg2[%get3A_249, %get3A_250, %get3A_251] : memref<9x128x24xf32, #tpu.memory_space<vmem>>, vector<1x128x24xf32>
    %get3A_253 = vector.shape_cast %get3A_252 : vector<1x128x24xf32> to vector<128x24xf32>
    %dot_general3A_254 = arith.constant dense<0.000000e+00> : vector<3136x24xf32>
    %dot_general3A_255 = tpu.matmul %reshape3A_248, %get3A_253, %dot_general3A_254 {dimension_numbers = #tpu.dot_dimension_numbers<[1], [0], [0], [1], [0, 0, 1, 1], [], []>, transpose_lhs_hint = false} : vector<3136x128xf32>, vector<128x24xf32>, vector<3136x24xf32> -> vector<3136x24xf32>
    %add3A_256 = arith.addf %add3A_240, %dot_general3A_255 : vector<3136x24xf32>
    %get3A_257 = arith.constant 0 : index
    %get3A_258 = arith.constant 1 : index
    %get3A_259 = arith.constant 1 : index
    %get3A_260 = arith.constant 2 : index
    %get3A_261 = arith.constant 0 : index
    %get3A_262 = vector.load %arg1[%get3A_257, %get3A_258, %get3A_259, %get3A_260, %get3A_261] : memref<1x115x2x30x128xf32, #tpu.memory_space<vmem>>, vector<1x112x1x28x128xf32>
    %get3A_263 = vector.shape_cast %get3A_262 : vector<1x112x1x28x128xf32> to vector<112x28x128xf32>
    %reshape3A_264 = vector.shape_cast %get3A_263 : vector<112x28x128xf32> to vector<3136x128xf32>
    %get3A_265 = arith.constant 5 : index
    %get3A_266 = arith.constant 0 : index
    %get3A_267 = arith.constant 0 : index
    %get3A_268 = vector.load %arg2[%get3A_265, %get3A_266, %get3A_267] : memref<9x128x24xf32, #tpu.memory_space<vmem>>, vector<1x128x24xf32>
    %get3A_269 = vector.shape_cast %get3A_268 : vector<1x128x24xf32> to vector<128x24xf32>
    %dot_general3A_270 = arith.constant dense<0.000000e+00> : vector<3136x24xf32>
    %dot_general3A_271 = tpu.matmul %reshape3A_264, %get3A_269, %dot_general3A_270 {dimension_numbers = #tpu.dot_dimension_numbers<[1], [0], [0], [1], [0, 0, 1, 1], [], []>, transpose_lhs_hint = false} : vector<3136x128xf32>, vector<128x24xf32>, vector<3136x24xf32> -> vector<3136x24xf32>
    %add3A_272 = arith.addf %add3A_256, %dot_general3A_271 : vector<3136x24xf32>
    %get3A_273 = arith.constant 0 : index
    %get3A_274 = arith.constant 2 : index
    %get3A_275 = arith.constant 0 : index
    %get3A_276 = arith.constant 0 : index
    %get3A_277 = arith.constant 0 : index
    %get3A_278 = vector.load %arg1[%get3A_273, %get3A_274, %get3A_275, %get3A_276, %get3A_277] : memref<1x115x2x30x128xf32, #tpu.memory_space<vmem>>, vector<1x112x1x28x128xf32>
    %get3A_279 = vector.shape_cast %get3A_278 : vector<1x112x1x28x128xf32> to vector<112x28x128xf32>
    %reshape3A_280 = vector.shape_cast %get3A_279 : vector<112x28x128xf32> to vector<3136x128xf32>
    %get3A_281 = arith.constant 6 : index
    %get3A_282 = arith.constant 0 : index
    %get3A_283 = arith.constant 0 : index
    %get3A_284 = vector.load %arg2[%get3A_281, %get3A_282, %get3A_283] : memref<9x128x24xf32, #tpu.memory_space<vmem>>, vector<1x128x24xf32>
    %get3A_285 = vector.shape_cast %get3A_284 : vector<1x128x24xf32> to vector<128x24xf32>
    %dot_general3A_286 = arith.constant dense<0.000000e+00> : vector<3136x24xf32>
    %dot_general3A_287 = tpu.matmul %reshape3A_280, %get3A_285, %dot_general3A_286 {dimension_numbers = #tpu.dot_dimension_numbers<[1], [0], [0], [1], [0, 0, 1, 1], [], []>, transpose_lhs_hint = false} : vector<3136x128xf32>, vector<128x24xf32>, vector<3136x24xf32> -> vector<3136x24xf32>
    %add3A_288 = arith.addf %add3A_272, %dot_general3A_287 : vector<3136x24xf32>
    %get3A_289 = arith.constant 0 : index
    %get3A_290 = arith.constant 2 : index
    %get3A_291 = arith.constant 0 : index
    %get3A_292 = arith.constant 1 : index
    %get3A_293 = arith.constant 0 : index
    %get3A_294 = vector.load %arg1[%get3A_289, %get3A_290, %get3A_291, %get3A_292, %get3A_293] : memref<1x115x2x30x128xf32, #tpu.memory_space<vmem>>, vector<1x112x1x28x128xf32>
    %get3A_295 = vector.shape_cast %get3A_294 : vector<1x112x1x28x128xf32> to vector<112x28x128xf32>
    %reshape3A_296 = vector.shape_cast %get3A_295 : vector<112x28x128xf32> to vector<3136x128xf32>
    %get3A_297 = arith.constant 7 : index
    %get3A_298 = arith.constant 0 : index
    %get3A_299 = arith.constant 0 : index
    %get3A_300 = vector.load %arg2[%get3A_297, %get3A_298, %get3A_299] : memref<9x128x24xf32, #tpu.memory_space<vmem>>, vector<1x128x24xf32>
    %get3A_301 = vector.shape_cast %get3A_300 : vector<1x128x24xf32> to vector<128x24xf32>
    %dot_general3A_302 = arith.constant dense<0.000000e+00> : vector<3136x24xf32>
    %dot_general3A_303 = tpu.matmul %reshape3A_296, %get3A_301, %dot_general3A_302 {dimension_numbers = #tpu.dot_dimension_numbers<[1], [0], [0], [1], [0, 0, 1, 1], [], []>, transpose_lhs_hint = false} : vector<3136x128xf32>, vector<128x24xf32>, vector<3136x24xf32> -> vector<3136x24xf32>
    %add3A_304 = arith.addf %add3A_288, %dot_general3A_303 : vector<3136x24xf32>
    %get3A_305 = arith.constant 0 : index
    %get3A_306 = arith.constant 2 : index
    %get3A_307 = arith.constant 0 : index
    %get3A_308 = arith.constant 2 : index
    %get3A_309 = arith.constant 0 : index
    %get3A_310 = vector.load %arg1[%get3A_305, %get3A_306, %get3A_307, %get3A_308, %get3A_309] : memref<1x115x2x30x128xf32, #tpu.memory_space<vmem>>, vector<1x112x1x28x128xf32>
    %get3A_311 = vector.shape_cast %get3A_310 : vector<1x112x1x28x128xf32> to vector<112x28x128xf32>
    %reshape3A_312 = vector.shape_cast %get3A_311 : vector<112x28x128xf32> to vector<3136x128xf32>
    %get3A_313 = arith.constant 8 : index
    %get3A_314 = arith.constant 0 : index
    %get3A_315 = arith.constant 0 : index
    %get3A_316 = vector.load %arg2[%get3A_313, %get3A_314, %get3A_315] : memref<9x128x24xf32, #tpu.memory_space<vmem>>, vector<1x128x24xf32>
    %get3A_317 = vector.shape_cast %get3A_316 : vector<1x128x24xf32> to vector<128x24xf32>
    %dot_general3A_318 = arith.constant dense<0.000000e+00> : vector<3136x24xf32>
    %dot_general3A_319 = tpu.matmul %reshape3A_312, %get3A_317, %dot_general3A_318 {dimension_numbers = #tpu.dot_dimension_numbers<[1], [0], [0], [1], [0, 0, 1, 1], [], []>, transpose_lhs_hint = false} : vector<3136x128xf32>, vector<128x24xf32>, vector<3136x24xf32> -> vector<3136x24xf32>
    %add3A_320 = arith.addf %add3A_304, %dot_general3A_319 : vector<3136x24xf32>
    %get3A_321 = arith.constant 0 : index
    %get3A_322 = arith.constant 0 : index
    %get3A_323 = vector.load %arg3[%get3A_321, %get3A_322] : memref<1x24xf32, #tpu.memory_space<vmem>>, vector<1x24xf32>
    %add3A_324 = vector.broadcast %get3A_323 : vector<1x24xf32> to vector<3136x24xf32>
    %add3A_325 = arith.addf %add3A_320, %add3A_324 : vector<3136x24xf32>
    %reshape3A_326 = vector.shape_cast %add3A_325 : vector<3136x24xf32> to vector<112x28x24xf32>
    %swap3A_327 = arith.constant 0 : index
    %swap3A_328 = arith.constant 0 : index
    %swap3A_329 = arith.constant 1 : index
    %swap3A_330 = arith.constant 0 : index
    %swap3A_331 = arith.constant 0 : index
    %swap3A_332 = vector.load %arg5[%swap3A_327, %swap3A_328, %swap3A_329, %swap3A_330, %swap3A_331] : memref<1x112x2x28x24xf32, #tpu.memory_space<vmem>>, vector<1x112x1x28x24xf32>
    %swap3A_333 = vector.shape_cast %swap3A_332 : vector<1x112x1x28x24xf32> to vector<112x28x24xf32>
    %swap3A_334 = vector.shape_cast %reshape3A_326 : vector<112x28x24xf32> to vector<1x112x1x28x24xf32>
    tpu.vector_store %arg5[%swap3A_327, %swap3A_328, %swap3A_329, %swap3A_330, %swap3A_331], %swap3A_334 {strides = array<i32>} : memref<1x112x2x28x24xf32, #tpu.memory_space<vmem>>, vector<1x112x1x28x24xf32>,
    %get3A_335 = arith.constant 0 : index
    %get3A_336 = arith.constant 0 : index
    %get3A_337 = arith.constant 1 : index
    %get3A_338 = arith.constant 0 : index
    %get3A_339 = arith.constant 0 : index
    %get3A_340 = vector.load %arg4[%get3A_335, %get3A_336, %get3A_337, %get3A_338, %get3A_339] : memref<1x112x2x28x24xf32, #tpu.memory_space<vmem>>, vector<1x112x1x28x24xf32>
    %get3A_341 = vector.shape_cast %get3A_340 : vector<1x112x1x28x24xf32> to vector<112x28x24xf32>
    %reshape3A_342 = vector.shape_cast %get3A_341 : vector<112x28x24xf32> to vector<3136x24xf32>
    %sub3A_343 = arith.subf %add3A_325, %reshape3A_342 : vector<3136x24xf32>
    %get3A_344 = arith.constant 0 : index
    %get3A_345 = arith.constant 0 : index
    %get3A_346 = memref.load %arg6[%get3A_344, %get3A_345] : memref<1x1xf32, #tpu.memory_space<smem>>
    %mul3A_347 = arith.mulf %sub3A_343, %sub3A_343 : vector<3136x24xf32>
    %reduce_sum3A_348 = vector.shape_cast %mul3A_347 : vector<3136x24xf32> to vector<1x3136x24xf32>
    %reduce_sum3A_349 = arith.constant dense<0.000000e+00> : vector<1xf32>
    %reduce_sum3A_350 = vector.multi_reduction <add>, %reduce_sum3A_348, %reduce_sum3A_349 [1, 2] : vector<1x3136x24xf32> to vector<1xf32>
    %reduce_sum3A_351 = vector.shape_cast %reduce_sum3A_350 : vector<1xf32> to vector<1x1x1xf32>
    %reduce_sum3A_352 = vector.extract %reduce_sum3A_351[0, 0, 0] : f32 from vector<1x1x1xf32>
    %add3A_353 = arith.addf %get3A_346, %reduce_sum3A_352 : f32
    %swap3A_354 = arith.constant 0 : index
    %swap3A_355 = arith.constant 0 : index
    %swap3A_356 = memref.load %arg6[%swap3A_354, %swap3A_355] : memref<1x1xf32, #tpu.memory_space<smem>>
    memref.store %add3A_353, %arg6[%swap3A_354, %swap3A_355] : memref<1x1xf32, #tpu.memory_space<smem>>
    return
  }
  func.func @transform_0(%arg0: i32) -> (i32, i32, i32, i32, i32) {
    %c0_i32 = arith.constant 0 : i32
    %c0_i32_0 = arith.constant 0 : i32
    %c0_i32_1 = arith.constant 0 : i32
    %c0_i32_2 = arith.constant 0 : i32
    %c0_i32_3 = arith.constant 0 : i32
    return %arg0, %c0_i32, %c0_i32_0, %c0_i32_1, %c0_i32_2 : i32, i32, i32, i32, i32
  }
  func.func @transform_1(%arg0: i32) -> (i32, i32, i32) {
    %c0_i32 = arith.constant 0 : i32
    %c0_i32_0 = arith.constant 0 : i32
    %c0_i32_1 = arith.constant 0 : i32
    %c0_i32_2 = arith.constant 0 : i32
    return %c0_i32, %c0_i32_0, %c0_i32_1 : i32, i32, i32
  }
  func.func @transform_2(%arg0: i32) -> (i32, i32) {
    %c0_i32 = arith.constant 0 : i32
    %c0_i32_0 = arith.constant 0 : i32
    %c0_i32_1 = arith.constant 0 : i32
    return %c0_i32, %c0_i32_0 : i32, i32
  }
  func.func @transform_3(%arg0: i32) -> (i32, i32, i32, i32, i32) {
    %c0_i32 = arith.constant 0 : i32
    %c0_i32_0 = arith.constant 0 : i32
    %c0_i32_1 = arith.constant 0 : i32
    %c0_i32_2 = arith.constant 0 : i32
    %c0_i32_3 = arith.constant 0 : i32
    return %arg0, %c0_i32, %c0_i32_0, %c0_i32_1, %c0_i32_2 : i32, i32, i32, i32, i32
  }
  func.func @transform_4(%arg0: i32) -> (i32, i32, i32, i32, i32) {
    %c0_i32 = arith.constant 0 : i32
    %c0_i32_0 = arith.constant 0 : i32
    %c0_i32_1 = arith.constant 0 : i32
    %c0_i32_2 = arith.constant 0 : i32
    %c0_i32_3 = arith.constant 0 : i32
    return %arg0, %c0_i32, %c0_i32_0, %c0_i32_1, %c0_i32_2 : i32, i32, i32, i32, i32
  }
  func.func @transform_5(%arg0: i32) -> (i32, i32) {
    %c0_i32 = arith.constant 0 : i32
    %c0_i32_0 = arith.constant 0 : i32
    %c0_i32_1 = arith.constant 0 : i32
    return %c0_i32, %c0_i32_0 : i32, i32
  }
}

</mosaic_0001>

<sc_bundles>
// kernel: kernel.12.cloned.1.call-start
scs
__scs_entry_jumppad:
0x0: {  	(pc) =	sbr.rel $0x88, $3  }
0x1: {  	(tag) =	ssettag $0x0;
	lr =	simm.s32 $0x1  }
0x2: {  	[smem:$0x3F8F] =	sst lr;
	_ =	strace $0xD0000000  }
0x3: {  	_ = 	snop  }
0x4: {  	_ = 	snop  }
0x5: {  	_ = 	snop  }
0x6: {  	_ = 	snop  }
0x7: {  	_ = 	snop  }
__scs_overlays_trampoline_lowered:
0x8: {  	[smem:$0x3F9E] =	sst s0  }
0x9: {  	[smem:$0x3F9F] =	sst s1  }
0xa: {  	[smem:$0x3FA0] =	sst s2  }
0xb: {  	[smem:$0x3FA1] =	sst s3  }
0xc: {  	[smem:$0x3FA2] =	sst s4  }
0xd: {  	[smem:$0x3FA3] =	sst s5  }
0xe: {  	[smem:$0x3FA4] =	sst s6  }
0xf: {  	[smem:$0x3FA5] =	sst s7  }
0x10: {  	[smem:$0x3FA6] =	sst s8  }
0x11: {  	[smem:$0x3FA7] =	sst s9;
	s0 =	simm.s32 @!p0 $0x0  }
0x12: {  	s1 =	sld [smem:$0x3F8D];
	s0 =	simm.s32 @p0 $0x1  }
0x13: {  	[smem:$0x3FA8] =	sst s0;
	s0 =	simm.s32 @!p1 $0x0  }
0x14: {  	s2 =	sld [smem:$0x3F8C];
	s0 =	simm.s32 @p1 $0x1  }
0x15: {  	[smem:$0x3FA9] =	sst s0;
	s0 =	simm.s32 @!p2 $0x0  }
0x16: {  	s3 =	sld [smem:$0x3FDB];
	s0 =	simm.s32 @p2 $0x1  }
0x17: {  	s4 =	simm.s32 $0x1BF5;
	[smem:$0x3FAB] =	sst s0  }
0x18: {  	s0 =	sld [smem:$0x3F8E];
	_ =	swait.ge [sflag:s4], $0x0  }
0x19: {  	s7 =	sld [smem:$0x3F8F]  }
0x1a: {  	s8 =	sadd.s32 $0xFFFFE003, lr  }
0x1b: {  	s9 =	sadd.s32 $0xFFFFFEF7, lr;
	s5 =	simm.s32 $0xFFFFFFFF;
	p2 =	slt.u32 s8, $0xFFFFF086  }
0x1c: {  	p1 =	slt.u32 s9, $0xF7A;
	s5 =	simm.s32 @!p2 $0x0  }
0x1d: {  	s5 =	simm.s32 @p1 $0x1;
	p0 =	seq.s32 s7, s2  }
0x1e: {  	s7 =	smul.u32 @!p0 $0xF7A, s2;
	p2 =	seq.s32 @!p0 s5, $0x0  }
0x1f: {  	s9 =	smul.u32 $0xF7A, s1;
	s8 =	simm.s32 @!p0 $0x1BF5;
	p2 =	por !p2, p0  }
0x20: {  	[sflag:s8] =	ssyncset.s32 @!p0 $0xFFFFF086;
	s6 =	sadd.s32 @!p0 s3, s7;
	s7 =	simm.s32 @!p0 $0x108  }
0x21: {  	s3 =	sadd.s32 s3, s9;
	s6 =	sadd.s32 @!p0 $0x88, s6;
	s7 =	simm.s32 @p2 $0x1082  }
0x22: {  	[simem:s7], [sflag:s8] =	dma.local @!p0 [hbm:s6], $0xF7A  }
0x23: {  	s9 =	sor.u32 $0xD0000000, s2;
	s6 =	simm.s32 $0x108;
	_ =	swait.ge @!p0 [sflag:s8], $0x0  }
0x24: {  	s3 =	sadd.s32 $0x88, s3;
	s6 =	simm.s32 @!p1 $0x1082;
	[sflag:s4] =	ssyncset.s32 $0xFFFFF086  }
0x25: {  	[simem:s6], [sflag:s4] =	dma.local [hbm:s3], $0xF7A  }
0x26: {  	[smem:$0x3F8F] =	sst s1;
	(tag) =	ssettag s2;
	_ =	strace s9  }
0x27: {  	s1 =	sld [smem:$0x3F9F]  }
0x28: {  	s2 =	sld [smem:$0x3FA0]  }
0x29: {  	s4 =	sld [smem:$0x3FA2]  }
0x2a: {  	p0 =	seq.s32 s5, $0x0;
	s5 =	sld [smem:$0x3FA3]  }
0x2b: {  	s6 =	sld [smem:$0x3FA4]  }
0x2c: {  	s7 =	sld [smem:$0x3FA5]  }
0x2d: {  	s3 =	simm.s32 $0x108;
	s8 =	sld [smem:$0x3FA6]  }
0x2e: {  	s3 =	simm.s32 @!p0 $0x1082;
	s9 =	sld [smem:$0x3FA7]  }
0x2f: {  	lr =	sadd.s32 s0, s3;
	s0 =	sld [smem:$0x3F9E]  }
0x30: {  	s3 =	sld [smem:$0x3FA1]  }
0x31: {  	[smem:$0x3FAA] =	sst s10  }
0x32: {  	s10 =	sld [smem:$0x3FA8];
	_ =	sdelay $0x3  }
0x33: {  	p0 =	seq.s32 s10, $0x1;
	s10 =	sld [smem:$0x3FAA];
	_ =	sdelay $0x3  }
0x34: {  	[smem:$0x3FAA] =	sst s10  }
0x35: {  	s10 =	sld [smem:$0x3FA9];
	_ =	sdelay $0x3  }
0x36: {  	p1 =	seq.s32 s10, $0x1;
	s10 =	sld [smem:$0x3FAA];
	_ =	sdelay $0x3  }
0x37: {  	[smem:$0x3FAA] =	sst s10  }
0x38: {  	s10 =	sld [smem:$0x3FAB]  }
0x39: {  	_ = 	snop;
	(pc) =	sbr.ind lr, $3  }
0x3a: {  	_ = 	snop  }
0x3b: {  	_ = 	snop  }
0x3c: {  	p2 =	seq.s32 s10, $0x1;
	s10 =	sld [smem:$0x3FAA]  }
0x3d: {  	_ =	shalt  }
0x3e: {  	_ =	shalt  }
0x3f: {  	_ =	shalt  }
0x40: {  	_ =	shalt  }
0x41: {  	_ =	shalt  }
0x42: {  	_ =	shalt  }
0x43: {  	_ =	shalt  }
0x44: {  	_ =	shalt  }
0x45: {  	_ =	shalt  }
0x46: {  	_ =	shalt  }
0x47: {  	_ =	shalt  }
0x48: {  	_ =	shalt  }
0x49: {  	_ =	shalt  }
0x4a: {  	_ =	shalt  }
0x4b: {  	_ =	shalt  }
0x4c: {  	_ =	shalt  }
0x4d: {  	_ =	shalt  }
0x4e: {  	_ =	shalt  }
0x4f: {  	_ =	shalt  }
0x50: {  	_ =	shalt  }
0x51: {  	_ =	shalt  }
0x52: {  	_ =	shalt  }
0x53: {  	_ =	shalt  }
0x54: {  	_ =	shalt  }
0x55: {  	_ =	shalt  }
0x56: {  	_ =	shalt  }
0x57: {  	_ =	shalt  }
0x58: {  	_ =	shalt  }
0x59: {  	_ =	shalt  }
0x5a: {  	_ =	shalt  }
0x5b: {  	_ =	shalt  }
0x5c: {  	_ =	shalt  }
0x5d: {  	_ =	shalt  }
0x5e: {  	_ =	shalt  }
0x5f: {  	_ =	shalt  }
0x60: {  	_ =	shalt  }
0x61: {  	_ =	shalt  }
0x62: {  	_ =	shalt  }
0x63: {  	_ =	shalt  }
0x64: {  	_ =	shalt  }
0x65: {  	_ =	shalt  }
0x66: {  	_ =	shalt  }
0x67: {  	_ =	shalt  }
0x68: {  	_ =	shalt  }
0x69: {  	_ =	shalt  }
0x6a: {  	_ =	shalt  }
0x6b: {  	_ =	shalt  }
0x6c: {  	_ =	shalt  }
0x6d: {  	_ =	shalt  }
0x6e: {  	_ =	shalt  }
0x6f: {  	_ =	shalt  }
0x70: {  	_ =	shalt  }
0x71: {  	_ =	shalt  }
0x72: {  	_ =	shalt  }
0x73: {  	_ =	shalt  }
0x74: {  	_ =	shalt  }
0x75: {  	_ =	shalt  }
0x76: {  	_ =	shalt  }
0x77: {  	_ =	shalt  }
0x78: {  	_ =	shalt  }
0x79: {  	_ =	shalt  }
0x7a: {  	_ =	shalt  }
0x7b: {  	_ =	shalt  }
0x7c: {  	_ =	shalt  }
0x7d: {  	_ =	shalt  }
0x7e: {  	_ =	shalt  }
0x7f: {  	_ =	shalt  }
0x80: {  	_ =	shalt  }
0x81: {  	_ =	shalt  }
0x82: {  	_ =	shalt  }
0x83: {  	_ =	shalt  }
0x84: {  	_ =	shalt  }
0x85: {  	_ =	shalt  }
0x86: {  	_ =	shalt  }
0x87: {  	_ =	shalt  }
.Lfunc_end0:
.L_simem_size_0:
called_computation_lowered:
.L_overlay_start_0:
0x88: {  	s2 =	sld [smem:$0x3FD9]  }
0x89: {  	s3 =	sld [smem:$0x3FFE];
	_ =	sdelay $0x1  }
0x8a: {  	s1 =	srdreg.scid  }
0x8b: {  	s0 =	sand.u32 $0x1, s1  }
0x8c: {  	s14 =	sshll.u32 s0, $0xA;
	s2 =	sadd.s32 s3, s2  }
0x8d: {  	s2 =	sadd.s32 s2, s14  }
0x8e: {  	[smem:$0x3FB6] =	sst s2  }
0x8f: {  	_ = 	snop  }
0x90: {  	s2 =	sld [smem:$0x3FD0];
	_ =	sdelay $0x2  }
0x91: {  	s4 =	simm.s32 $0xA;
	s5 =	simm.s32 $0x10;
	s15 =	sld [smem:$0x3FB8]  }
0x92: {  	[smem:s5], [sflag:s4] =	dma.local [hbm:s2], $0x1  }
0x93: {  	_ =	swait.eq [sflag:s4], $0x1  }
0x94: {  	[sflag:s4] =	ssyncset.done $0x0  }
0x95: {  	[sflag:s4] =	ssyncadd.s32 $0xFFFFFFFF  }
0x96: {  	s16 =	sld [smem:$0x10];
	(tm) =	ssettm $0x1  }
0x97: {  	s17 =	sld [smem:$0x3FFB];
	_ =	sdelay $0x3  }
0x98: {  	_ =	strace s17  }
0x99: {  	s4 =	sld [smem:$0x3FFC];
	_ =	sdelay $0x3  }
0x9a: {  	_ =	strace s4  }
0x9b: {  	s4 =	sld [smem:$0x3FFD];
	_ =	sdelay $0x3  }
0x9c: {  	_ =	strace s4  }
0x9d: {  	_ =	strace $0x8FFFFFFF  }
0x9e: {  	s18 =	sld [smem:$0x3FDB];
	_ =	sdelay $0x1  }
0x9f: {  	s19 =	simm.s32 $_scs_section_size  }
0xa0: {  	s6 =	simm.s32 $_size__tile_overlayer_lowered;
	s7 =	simm.s32 $_tile_overlayer_lowered  }
0xa1: {  	s22 =	simm.s32 $0x1BFF;
	s21 =	sshll.u32 s7, $0x1;
	s4 =	sadd.s32 s19, s18  }
0xa2: {  	s8 =	simm.s32 $0x0;
	s20 =	sshll.u32 s6, $0x1;
	s6 =	sadd.s32 s21, s4  }
0xa3: {  	[timem:s8], [sflag:s22] =	dma.local [hbm:s6], s20  }
0xa4: {  	_ =	swait.ge [sflag:s22], s20  }
0xa5: {  	s5 =	ssub.s32 $0x0, s20;
	[sflag:s22] =	ssyncset.done $0x0  }
0xa6: {  	[sflag:s22] =	ssyncadd.s32 s5;
	_ =	sdelay $0x1  }
0xa7: {  	s23 =	simm.s32 $0x1B8B  }
0xa8: {  	_ =	swait.ge [sflag:s23], $0x1  }
0xa9: {  	[sflag:s23] =	ssyncset.done $0x0  }
0xaa: {  	s25 =	simm.s32 $0x1B8E;
	s24 =	sld [smem:$0x3FFE];
	[sflag:s23] =	ssyncadd.s32 $0xFFFFFFFF  }
0xab: {  	s26 =	simm.s32 $execute0_lowered;
	[smem:$0x3FD2] =	sst s25  }
0xac: {  	s6 =	sshll.u32 s26, $0x1;
	_ =	strace $0x80000046;
	[dreg:$0x1] =	wrdreg $0xFFFFFFFF  }
0xad: {  	s28 =	simm.s32 $_size_execute0_lowered;
	s4 =	sadd.s32 s4, s6;
	[dreg:$0x0] =	wrdreg $0x0  }
0xae: {  	s6 =	sshll.u32 s28, $0x1;
	[dreg:$0x2] =	wrdreg s4  }
0xaf: {  	[dreg:$0x3] =	wrdreg s6  }
0xb0: {  	[dreg:$0x4] =	wrdreg $0xC0  }
0xb1: {  	_ =	task [dreg:s8], $0x5FFFF  }
0xb2: {  	[dreg:$0x1] =	wrdreg $0xFFFFFFFF  }
0xb3: {  	[dreg:$0x0] =	wrdreg $0x60  }
0xb4: {  	[dreg:$0x2] =	wrdreg s15  }
0xb5: {  	[dreg:$0x3] =	wrdreg s24  }
0xb6: {  	[dreg:$0x4] =	wrdreg s16  }
0xb7: {  	[dreg:$0x5] =	wrdreg $0x9  }
0xb8: {  	_ =	task.clear_ibuf [dreg:s8], $0x6FFFF;
	_ =	strace $0x90000046  }
0xb9: {  	s29 =	simm.s32 $0x9;
	_ =	strace $0x80000048  }
0xba: {  	_ =	swait.ge [sflag:s29], $0x1  }
0xbb: {  	[sflag:s29] =	ssyncadd.s32 $0xFFFFFFFF  }
0xbc: {  	_ =	strace $0x90000048  }
0xbd: {  	_ =	sfence  }
0xbe: {  	s30 =	sld [smem:$0x0];
	_ =	sdelay $0x2  }
0xbf: {  	s31 =	sshll.u32 s1, $0xD;
	s1 =	sshrl.u32 s1, $0x2  }
0xc0: {  	s3 =	sand.u32 $0x4000, s31;
	s1 =	sadd.s32 s1, s30  }
0xc1: {  	s0 =	sor.u32 s3, s0;
	s1 =	sshll.u32 s1, $0x11  }
0xc2: {  	s0 =	sor.u32 s1, s0  }
0xc3: {  	s0 =	sadd.s32 $0x8F2B, s0  }
0xc4: {  	[sflag:s0] =	ssyncadd.remote.s32 $0x1  }
0xc5: {  	_ =	sfence.sel $0xFFFF  }
0xc6: {  	[dreg:$0x0] =	wrdreg $0xFFFFFFFF;
	(pc) =	sbr.abs _section_cstart, $3  }
0xc7: {  	[dreg:$0x1] =	wrdreg $0xFFFFFFFF  }
0xc8: {  	_ =	task.clear_ibuf [dreg:s8], $0x2FFFF;
	_ =	strace $0x9FFFFFFF  }
0xc9: {  	(tm) =	ssettm $0x7FFFFFFF  }
tec
execute0_lowered:
.L_overlay_start_1:
0x0: {  	(tag) =	ssettag $0x1  }
0x1: {  	s1 =	srdreg.scid;
	s0 =	stileid.u32  }
0x2: {  	s2 =	rddreg [dreg:$0x0];
	s6 =	sand.u32 $0x1, s1;
	s30 =	sshll.u32 s0, $0x1  }
0x3: {  	s4 =	rddreg [dreg:$0x1];
	s9 =	sor.u32 s6, s30  }
0x4: {  	s10 =	rddreg [dreg:$0x2];
	s3 =	simm.s32 $0x0;
	s5 =	smul.u32 $0x19, s9  }
0x5: {  	[smem:$0x7FF] =	sst s3  }
0x6: {  	s1 =	rddreg [dreg:$0x3];
	_ =	strace $0x80000047;
	s4 =	sadd.s32 s5, s4  }
0x7: {  	s11 =	ssub.s32 $0x2, s6;
	s5 =	sadd.s32 $0x8800, s4;
	s4 =	simm.s32 $0x2  }
0x8: {  	[tilespmem:s3], [sflag:$0x2] =	stream.linear.gather [hbm4b:s5+s3], $0xC8, $0x38;
	[tilespmem:$0x6500] =	vst v63  }
0x9: {  	s7 =	simm.s32 $0x100;
	s12 =	sshrl.u32 s11, $0x1;
	_ =	swait.ge [sflag:s4], $0xC8  }
0xa: {  	s8 =	simm.s32 $0x1;
	s11 =	ssub.s32 s11, s12;
	[sflag:s4] =	ssyncset.done $0x0  }
0xb: {  	s6 =	simm.s32 $0xC8;
	s31 =	smax.u32 s11, $0x1;
	[sflag:s4] =	ssyncadd.s32 $0xFFFFFF38  }
0xc: {  	[tilespmem:s7], [sflag:$0x1] =	stream.indirect.gather [hbm4b:s2+s6], $0x80, s3, s6, $0xb8;
	[tilespmem:$0x6500] =	vst v63  }
0xd: {  	s9 =	smul.u32 $0xC80, s9;
	p0 =	sne.s32 s31, $0x1;
	_ =	swait.ge [sflag:s8], $0x6400  }
.Ltmp0:
0xe: {  	[sflag:s8] =	ssyncset.done $0x0;
	(pc) =	sbr.rel @!p0 .LBB2_2-.Ltmp0, $4  }
0xf: {  	s9 =	sadd.s32 s10, s9;
	[sflag:s8] =	ssyncadd.s32 $0xFFFF9C00  }
0x10: {  	[hbm4b:s9+s3] =	stream.linear.scatter [tilespmem:s7], [sflag:$0x2], $0x6400, $0x38;
	[tilespmem:$0x6500] =	vst v63  }
0x11: {  	_ =	swait.ge [sflag:s4], $0x6400  }
0x12: {  	s10 =	sadd.s32 $0xFFFFFFFF, s31;
	[sflag:s4] =	ssyncset.done $0x0  }
.LBB2_1:
0x13: {  	p0 =	sne.s32 s10, $0x1;
	s10 =	sadd.s32 $0xFFFFFFFF, s10;
	[sflag:s4] =	ssyncadd.s32 $0xFFFF9C00  }
0x14: {  	[tilespmem:s3], [sflag:$0x2] =	stream.linear.gather [hbm4b:s5+s3], $0xC8, $0x38;
	[tilespmem:$0x6500] =	vst v63  }
0x15: {  	_ =	swait.ge [sflag:s4], $0xC8  }
0x16: {  	[sflag:s4] =	ssyncset.done $0x0  }
0x17: {  	[sflag:s4] =	ssyncadd.s32 $0xFFFFFF38  }
0x18: {  	[tilespmem:s7], [sflag:$0x1] =	stream.indirect.gather [hbm4b:s2+s6], $0x80, s3, s6, $0xb8;
	[tilespmem:$0x6500] =	vst v63  }
0x19: {  	_ =	swait.ge [sflag:s8], $0x6400  }
.Ltmp1:
0x1a: {  	[sflag:s8] =	ssyncset.done $0x0;
	(pc) =	sbr.rel @p0 .LBB2_1-.Ltmp1, $4  }
0x1b: {  	[sflag:s8] =	ssyncadd.s32 $0xFFFF9C00  }
0x1c: {  	[hbm4b:s9+s3] =	stream.linear.scatter [tilespmem:s7], [sflag:$0x2], $0x6400, $0x38;
	[tilespmem:$0x6500] =	vst v63  }
0x1d: {  	_ =	swait.ge [sflag:s4], $0x6400  }
0x1e: {  	[sflag:s4] =	ssyncset.done $0x0  }
.LBB2_2:
0x1f: {  	[sflag:s4] =	ssyncadd.s32 $0xFFFF9C00  }
0x20: {  	_ =	sfence.sel $0x180000  }
0x21: {  	[bflag:$0x0] =	sbarrier.arrive $0xFFFF  }
0x22: {  	p0 =	sne.s32 s0, $0x0;
	_ =	strace $0x90000047  }
0x23: {  	s0 =	sadd.s32 @!p0 $0x100000, s1;
	[bflag:$0x2] =	sbarrier.arrive $0xFFFF  }
0x24: {  	[sflag:s0] =	ssyncadd.tile.s32 @!p0 $0x1;
	_ =	shalt  }
.Lfunc_end2:
_tile_overlayer_lowered:
.L_overlay_start_2:
0x25: {  	(tag) =	ssettag $0x2  }
0x26: {  	s0 =	rddreg [dreg:$0x0];
	s2 =	stileid.u32  }
0x27: {  	s1 =	rddreg [dreg:$0x1];
	p0 =	sne.s32 s2, $0x0  }
0x28: {  	s3 =	rddreg [dreg:$0x2];
	[bflag:$0x3] =	sbarrier.arrive $0xFFFF;
	s2 =	simm.s32 @!p0 $0x1C02  }
0x29: {  	[timem:s3], [sflag:s2] =	dma.local @!p0 [hbm:s0], s1  }
0x2a: {  	s0 =	simm.s32 @!p0 $0x2  }
0x2b: {  	_ =	swait.ge @!p0 [sflag:s0], s1  }
0x2c: {  	s1 =	ssub.s32 @!p0 $0x0, s1;
	[sflag:s0] =	ssyncset.done @!p0 $0x0  }
0x2d: {  	[sflag:s0] =	ssyncadd.s32 @!p0 s1  }
0x2e: {  	[bflag:$0x3] =	sbarrier.arrive $0xFFFF  }
0x2f: {  	_ =	shalt  }

</sc_bundles>
